<compile_context>
chip_gen: v7x
topology: tpu7x:2x2x1
jax: 0.10.2.dev20260603
libtpu: 0.0.44.dev20260713+nightly
codegen_flags: <defaults>
</compile_context>

<pallas_src>
import functools

import jax
import jax.numpy as jnp
from jax import lax
from jax.experimental import pallas as pl
from jax.experimental.pallas import tpu as pltpu
from jax.experimental.pallas import tpu_sc as plsc

_JITTER = 0.01
_NC, _NS = 2, 16


def _lane_cumsum(x):
    w = x.shape[-1]
    sh = 1
    while sh < w:
        pad = jnp.zeros_like(x[..., :sh])
        x = x + jnp.concatenate([pad, x[..., :-sh]], axis=-1)
        sh *= 2
    return x


def _sub_cumsum(x):
    n = x.shape[0]
    sh = 1
    while sh < n:
        pad = jnp.zeros_like(x[:sh])
        x = x + jnp.concatenate([pad, x[:-sh]], axis=0)
        sh *= 2
    return x


def _router_body(hs_ref, gw_ref, logits_ref, w_ref, pos_ref, off_ref):
    hs = hs_ref[...]
    gw = gw_ref[...]
    scores = jax.lax.dot_general(hs, gw, (((1,), (1,)), ((), ())),
                                 preferred_element_type=jnp.float32)
    logits_ref[...] = scores
    neg = jnp.float32(float("-inf"))

    m1 = jnp.max(scores, axis=-1, keepdims=True)
    eq1 = scores == m1
    oh1 = eq1 & (_lane_cumsum(eq1.astype(jnp.int32)) == 1)
    fac1 = jnp.maximum(jnp.abs(scores), m1)
    msk1 = (m1 - scores) / fac1 > 2.0 * _JITTER
    mg1 = jnp.where(msk1, neg, scores)
    e1 = jnp.exp(mg1 - m1)
    p1 = (jnp.sum(jnp.where(oh1, e1, 0.0), axis=-1, keepdims=True)
          / jnp.sum(e1, axis=-1, keepdims=True))

    masked = jnp.where(oh1, neg, scores)
    m2 = jnp.max(masked, axis=-1, keepdims=True)
    eq2 = masked == m2
    oh2 = eq2 & (_lane_cumsum(eq2.astype(jnp.int32)) == 1)
    fac2 = jnp.maximum(jnp.abs(scores), m2)
    msk2 = (m2 - scores) / fac2 > 2.0 * _JITTER
    mg2 = jnp.where(msk2, neg, masked)
    e2 = jnp.exp(mg2 - m2)
    p2 = (jnp.sum(jnp.where(oh2, e2, 0.0), axis=-1, keepdims=True)
          / jnp.sum(e2, axis=-1, keepdims=True))

    w_ref[...] = jnp.concatenate([p1, p2], axis=1)

    oh = jnp.concatenate([oh1, oh2], axis=0).astype(jnp.int32)
    cum = _sub_cumsum(oh)
    counts = cum[-1:, :]
    pcnt = ((counts + 7) // 8) * 8
    pincl = _lane_cumsum(pcnt)
    pexcl = pincl - pcnt
    pos = jnp.sum((cum - 1 + pexcl) * oh, axis=-1, keepdims=True)
    pos_ref[...] = pos
    off_ref[...] = jnp.concatenate(
        [jnp.zeros((1, 1), jnp.int32), pincl,
         jnp.zeros((1, off_ref.shape[1] - counts.shape[1] - 1), jnp.int32)],
        axis=1)


def _moe_body(off_ref, hs_ref, prow_ref, w1_ref, w3_ref, w2_ref, ys_ref, *,
              blk):
    ex = pl.program_id(0)
    start = off_ref[ex]
    nblk = jax.lax.div(off_ref[ex + 1] - start + (blk - 1), blk)
    pos0 = prow_ref[0:1, :]
    pos1 = prow_ref[1:2, :]
    hsv = hs_ref[...]
    w1m = w1_ref[0]
    w3m = w3_ref[0]
    w2m = w2_ref[0]

    def chunk(k, carry):
        rs = pl.multiple_of(start + k * blk, 8)
        rowid = rs + jax.lax.broadcasted_iota(jnp.int32, (blk, 1), 0)
        pm = (pos0 == rowid).astype(jnp.float32) + \
             (pos1 == rowid).astype(jnp.float32)
        xb = jax.lax.dot_general(pm, hsv, (((1,), (0,)), ((), ())),
                                 preferred_element_type=jnp.float32)
        t1 = jax.lax.dot_general(xb, w1m, (((1,), (1,)), ((), ())),
                                 preferred_element_type=jnp.float32)
        t3 = jax.lax.dot_general(xb, w3m, (((1,), (1,)), ((), ())),
                                 preferred_element_type=jnp.float32)
        h = (t1 * jax.nn.sigmoid(t1)) * t3
        yb = jax.lax.dot_general(h, w2m, (((1,), (1,)), ((), ())),
                                 preferred_element_type=jnp.float32)
        ys_ref[pl.ds(rs, blk), :] = yb
        return carry

    jax.lax.fori_loop(0, nblk, chunk, 0)


def _splat(vec16, j):
    idx = jnp.full((16, 1), j, jnp.int32)
    return jax.lax.gather(
        vec16, idx,
        jax.lax.GatherDimensionNumbers(
            offset_dims=(), collapsed_slice_dims=(0,), start_index_map=(0,)),
        (1,), mode=jax.lax.GatherScatterMode.PROMISE_IN_BOUNDS)


def _combine_body(pos_hbm, w_hbm, ys_hbm, out_hbm,
                  idx0_v, idx1_v, g0_v, g1_v, r0_v, r1_v, sem):
    c = lax.axis_index("c")
    s = lax.axis_index("s")
    wid = s * _NC + c
    n_tok = out_hbm.shape[0]
    d = out_hbm.shape[1]
    for half in range(2):
        tk = wid * 64 + half * 32
        c0 = pltpu.async_copy(pos_hbm.at[pl.ds(tk, 32)], idx0_v, sem)
        c1 = pltpu.async_copy(pos_hbm.at[pl.ds(n_tok + tk, 32)], idx1_v, sem)
        c2 = pltpu.async_copy(w_hbm.at[pl.ds(tk, 32)], g0_v, sem)
        c3 = pltpu.async_copy(w_hbm.at[pl.ds(n_tok + tk, 32)], g1_v, sem)
        c0.wait()
        c1.wait()
        c2.wait()
        c3.wait()
        cp0 = pltpu.async_copy(ys_hbm.at[idx0_v], r0_v, sem)
        cp1 = pltpu.async_copy(ys_hbm.at[idx1_v], r1_v, sem)
        cp0.wait()
        cp1.wait()

        def row(j, carry):
            b16 = jax.lax.div(j, 16) * 16
            jj = jax.lax.rem(j, 16)
            gs0 = _splat(g0_v[pl.ds(b16, 16)], jj)
            gs1 = _splat(g1_v[pl.ds(b16, 16)], jj)

            def col(q, carry2):
                sl = pl.ds(q * 16, 16)
                r0_v[j, sl] = gs0 * r0_v[j, sl] + gs1 * r1_v[j, sl]
                return carry2

            jax.lax.fori_loop(0, d // 16, col, 0)
            return carry

        jax.lax.fori_loop(0, 32, row, 0)
        pltpu.sync_copy(r0_v, out_hbm.at[pl.ds(tk, 32)])


def kernel(hidden_states, gate_w, w1, w2, w3):
    b, s, d = hidden_states.shape
    n = b * s
    e = gate_w.shape[0]
    ffn = w1.shape[1]
    blk = 128
    npad = 2 * n + (e - 1) * 8 + blk
    hs = hidden_states.reshape(n, d)

    logits, wts, pos, offs = pl.pallas_call(
        _router_body,
        out_shape=[
            jax.ShapeDtypeStruct((n, e), jnp.float32),
            jax.ShapeDtypeStruct((n, 2), jnp.float32),
            jax.ShapeDtypeStruct((2 * n, 1), jnp.int32),
            jax.ShapeDtypeStruct((1, 128), jnp.int32),
        ],
    )(hs, gate_w)

    pos_flat = pos.reshape(2 * n)
    w_flat = wts.T.reshape(2 * n)
    prow = pos.reshape(2, n)
    offsets = offs[0, : e + 1]

    grid_spec = pltpu.PrefetchScalarGridSpec(
        num_scalar_prefetch=1,
        grid=(e,),
        in_specs=[
            pl.BlockSpec((n, d), lambda i, *_: (0, 0)),
            pl.BlockSpec((2, n), lambda i, *_: (0, 0)),
            pl.BlockSpec((1, ffn, d), lambda i, *_: (i, 0, 0)),
            pl.BlockSpec((1, ffn, d), lambda i, *_: (i, 0, 0)),
            pl.BlockSpec((1, d, ffn), lambda i, *_: (i, 0, 0)),
        ],
        out_specs=pl.BlockSpec((npad, d), lambda i, *_: (0, 0)),
    )
    ys = pl.pallas_call(
        functools.partial(_moe_body, blk=blk),
        grid_spec=grid_spec,
        out_shape=jax.ShapeDtypeStruct((npad, d), jnp.float32),
        compiler_params=pltpu.CompilerParams(
            dimension_semantics=("arbitrary",),
            vmem_limit_bytes=110 * 1024 * 1024,
        ),
    )(offsets, hs, prow, w1, w3, w2)

    mesh = plsc.VectorSubcoreMesh(core_axis_name="c", subcore_axis_name="s",
                                  num_cores=_NC, num_subcores=_NS)
    final = pl.kernel(
        _combine_body,
        out_type=jax.ShapeDtypeStruct((n, d), jnp.float32),
        mesh=mesh,
        scratch_types=[
            pltpu.VMEM((32,), jnp.int32),
            pltpu.VMEM((32,), jnp.int32),
            pltpu.VMEM((32,), jnp.float32),
            pltpu.VMEM((32,), jnp.float32),
            pltpu.VMEM((32, d), jnp.float32),
            pltpu.VMEM((32, d), jnp.float32),
            pltpu.SemaphoreType.DMA,
        ],
    )(pos_flat, w_flat, ys)
    return final.reshape(b, s, d), logits

# --- scband reference (transcript-rebuilt; emitter-appended) ---
"""Pipeline reference for scband-phimoe-sparse-moe-block-6975026888748 (READ-ONLY COPY).

The authoritative reference and input builder live on the scoring server;
editing this copy changes nothing except your own understanding.
"""

import jax, jax.numpy as jnp
import numpy as np

E = 64
TOPK = 2
D = 768
FFN = 1024
JITTER = 0.01
B = 1
S = 2048


def setup_inputs(seed: int = 0) -> dict:
    key = jax.random.key(seed)
    k1, k2, k3, k4, k5 = jax.random.split(key, 5)
    hidden_states = jax.random.normal(k1, (B, S, D), dtype=jnp.float32)
    gate_w = jax.random.normal(k2, (E, D), dtype=jnp.float32) * 0.02
    w1 = jax.random.normal(k3, (E, FFN, D), dtype=jnp.float32) * 0.02
    w2 = jax.random.normal(k4, (E, D, FFN), dtype=jnp.float32) * 0.02
    w3 = jax.random.normal(k5, (E, FFN, D), dtype=jnp.float32) * 0.02
    return {"hidden_states": hidden_states, "gate_w": gate_w, "w1": w1, "w2": w2, "w3": w3}


def _sparsemixer_eval(scores, jitter_eps):
    # top-1 branch
    m = jnp.max(scores, axis=-1, keepdims=True)
    sel1 = jnp.argmax(scores, axis=-1, keepdims=True)
    factor = jnp.maximum(jnp.abs(scores), m)  # clamp(min=m)
    mask = (m - scores) / factor > 2.0 * jitter_eps
    mg = jnp.where(mask, -jnp.inf, scores)
    mg = jax.nn.softmax(mg, axis=-1)
    mult1 = jnp.take_along_axis(mg, sel1, axis=-1)
    # mask out top-1 and repeat for top-2
    n = scores.shape[0]
    masked_scores = scores.at[jnp.arange(n), sel1[:, 0]].set(-jnp.inf)
    m2 = jnp.max(masked_scores, axis=-1, keepdims=True)
    sel2 = jnp.argmax(masked_scores, axis=-1, keepdims=True)
    factor2 = jnp.maximum(jnp.abs(scores), m2)
    mask2 = (m2 - scores) / factor2 > 2.0 * jitter_eps
    mg2 = jnp.where(mask2, -jnp.inf, masked_scores)
    mg2 = jax.nn.softmax(mg2, axis=-1)
    mult2 = jnp.take_along_axis(mg2, sel2, axis=-1)
    multiplier = jnp.concatenate([mult1, mult2], axis=-1)
    selected = jnp.concatenate([sel1, sel2], axis=-1)
    return multiplier, selected


def reference(hidden_states, gate_w, w1, w2, w3):
    b, s, d = hidden_states.shape
    hs = hidden_states.reshape(-1, d)
    router_logits = hs @ gate_w.T
    routing_weights, selected_experts = _sparsemixer_eval(router_logits, JITTER)
    final = jnp.zeros((b * s, d), dtype=hs.dtype)
    for e in range(E):
        gate = jnp.sum(
            jnp.where(selected_experts == e, routing_weights, jnp.zeros_like(routing_weights)),
            axis=-1,
        )
        h = jax.nn.silu(hs @ w1[e].T) * (hs @ w3[e].T)
        out = h @ w2[e].T
        out = out * gate[:, None]
        final = final + out
    return final.reshape(b, s, d), router_logits

if __name__ == "__main__":
    import jax
    _d = setup_inputs()
    print(jax.jit(kernel)(*tuple(_d.values())))

</pallas_src>

<mosaic_0001>
#map = affine_map<(d0, d1) -> (0)>
#map1 = affine_map<(d0, d1) -> (0, 0)>
module attributes {stable_mosaic.version = 14 : i64} {
  func.func @_combine_body(%arg0: i32, %arg1: i32, %arg2: memref<4096xi32, #tpu.memory_space<hbm>>, %arg3: memref<4096xf32, #tpu.memory_space<hbm>>, %arg4: memref<4728x768xf32, #tpu.memory_space<hbm>>, %arg5: memref<2048x768xf32, #tpu.memory_space<hbm>>, %arg6: memref<32xi32, #tpu.memory_space<vmem>>, %arg7: memref<32xi32, #tpu.memory_space<vmem>>, %arg8: memref<32xf32, #tpu.memory_space<vmem>>, %arg9: memref<32xf32, #tpu.memory_space<vmem>>, %arg10: memref<32x768xf32, #tpu.memory_space<vmem>>, %arg11: memref<32x768xf32, #tpu.memory_space<vmem>>, %arg12: memref<!tpu.dma_semaphore, #tpu.memory_space<semaphore_mem>>) attributes {dimension_semantics = [#tpu.dimension_semantics<core_parallel>, #tpu.dimension_semantics<subcore_parallel>], iteration_bounds = array<i64: 2, 16>, scalar_prefetch = 0 : i64, scratch_operands = 7 : i64, tpu.core_type = #tpu.core_type<sc_vector_subcore>, window_params = [{transform_indices = #map}, {transform_indices = #map}, {transform_indices = #map1}, {transform_indices = #map1}]} {
    %mul3A = arith.constant 2 : i32
    %mul3A_0 = arith.muli %arg1, %mul3A : i32
    %add3A = arith.addi %mul3A_0, %arg0 : i32
    %mul3A_1 = arith.constant 64 : i32
    %mul3A_2 = arith.muli %add3A, %mul3A_1 : i32
    %add3A_3 = arith.constant 0 : i32
    %add3A_4 = arith.addi %mul3A_2, %add3A_3 : i32
    %dma_start3A = tpu.memref_slice %arg2[%add3A_4] : memref<4096xi32, #tpu.memory_space<hbm>> -> memref<32xi32, #tpu.memory_space<hbm>>
    %dma_start3A_5 = tpu.memref_slice %arg2[%add3A_4] : memref<4096xi32, #tpu.memory_space<hbm>> -> memref<32xi32, #tpu.memory_space<hbm>>
    tpu.enqueue_dma source(%dma_start3A_5 : memref<32xi32, #tpu.memory_space<hbm>>) target(%arg6 : memref<32xi32, #tpu.memory_space<vmem>>) target_semaphore(%arg12 : memref<!tpu.dma_semaphore, #tpu.memory_space<semaphore_mem>>)
    %add3A_6 = arith.constant 2048 : i32
    %add3A_7 = arith.addi %add3A_6, %add3A_4 : i32
    %dma_start3A_8 = tpu.memref_slice %arg2[%add3A_7] : memref<4096xi32, #tpu.memory_space<hbm>> -> memref<32xi32, #tpu.memory_space<hbm>>
    %dma_start3A_9 = tpu.memref_slice %arg2[%add3A_7] : memref<4096xi32, #tpu.memory_space<hbm>> -> memref<32xi32, #tpu.memory_space<hbm>>
    tpu.enqueue_dma source(%dma_start3A_9 : memref<32xi32, #tpu.memory_space<hbm>>) target(%arg7 : memref<32xi32, #tpu.memory_space<vmem>>) target_semaphore(%arg12 : memref<!tpu.dma_semaphore, #tpu.memory_space<semaphore_mem>>)
    %dma_start3A_10 = tpu.memref_slice %arg3[%add3A_4] : memref<4096xf32, #tpu.memory_space<hbm>> -> memref<32xf32, #tpu.memory_space<hbm>>
    %dma_start3A_11 = tpu.memref_slice %arg3[%add3A_4] : memref<4096xf32, #tpu.memory_space<hbm>> -> memref<32xf32, #tpu.memory_space<hbm>>
    tpu.enqueue_dma source(%dma_start3A_11 : memref<32xf32, #tpu.memory_space<hbm>>) target(%arg8 : memref<32xf32, #tpu.memory_space<vmem>>) target_semaphore(%arg12 : memref<!tpu.dma_semaphore, #tpu.memory_space<semaphore_mem>>)
    %add3A_12 = arith.constant 2048 : i32
    %add3A_13 = arith.addi %add3A_12, %add3A_4 : i32
    %dma_start3A_14 = tpu.memref_slice %arg3[%add3A_13] : memref<4096xf32, #tpu.memory_space<hbm>> -> memref<32xf32, #tpu.memory_space<hbm>>
    %dma_start3A_15 = tpu.memref_slice %arg3[%add3A_13] : memref<4096xf32, #tpu.memory_space<hbm>> -> memref<32xf32, #tpu.memory_space<hbm>>
    tpu.enqueue_dma source(%dma_start3A_15 : memref<32xf32, #tpu.memory_space<hbm>>) target(%arg9 : memref<32xf32, #tpu.memory_space<vmem>>) target_semaphore(%arg12 : memref<!tpu.dma_semaphore, #tpu.memory_space<semaphore_mem>>)
    %dma_wait3A = tpu.memref_slice %arg2[%add3A_4] : memref<4096xi32, #tpu.memory_space<hbm>> -> memref<32xi32, #tpu.memory_space<hbm>>
    %dma_wait3A_16 = tpu.memref_slice %arg2[%add3A_4] : memref<4096xi32, #tpu.memory_space<hbm>> -> memref<32xi32, #tpu.memory_space<hbm>>
    tpu.wait_dma2 semaphore(%arg12 : memref<!tpu.dma_semaphore, #tpu.memory_space<semaphore_mem>>) src(%dma_wait3A_16 : memref<32xi32, #tpu.memory_space<hbm>>) dst(%arg6 : memref<32xi32, #tpu.memory_space<vmem>>)
    %dma_wait3A_17 = tpu.memref_slice %arg2[%add3A_7] : memref<4096xi32, #tpu.memory_space<hbm>> -> memref<32xi32, #tpu.memory_space<hbm>>
    %dma_wait3A_18 = tpu.memref_slice %arg2[%add3A_7] : memref<4096xi32, #tpu.memory_space<hbm>> -> memref<32xi32, #tpu.memory_space<hbm>>
    tpu.wait_dma2 semaphore(%arg12 : memref<!tpu.dma_semaphore, #tpu.memory_space<semaphore_mem>>) src(%dma_wait3A_18 : memref<32xi32, #tpu.memory_space<hbm>>) dst(%arg7 : memref<32xi32, #tpu.memory_space<vmem>>)
    %dma_wait3A_19 = tpu.memref_slice %arg3[%add3A_4] : memref<4096xf32, #tpu.memory_space<hbm>> -> memref<32xf32, #tpu.memory_space<hbm>>
    %dma_wait3A_20 = tpu.memref_slice %arg3[%add3A_4] : memref<4096xf32, #tpu.memory_space<hbm>> -> memref<32xf32, #tpu.memory_space<hbm>>
    tpu.wait_dma2 semaphore(%arg12 : memref<!tpu.dma_semaphore, #tpu.memory_space<semaphore_mem>>) src(%dma_wait3A_20 : memref<32xf32, #tpu.memory_space<hbm>>) dst(%arg8 : memref<32xf32, #tpu.memory_space<vmem>>)
    %dma_wait3A_21 = tpu.memref_slice %arg3[%add3A_13] : memref<4096xf32, #tpu.memory_space<hbm>> -> memref<32xf32, #tpu.memory_space<hbm>>
    %dma_wait3A_22 = tpu.memref_slice %arg3[%add3A_13] : memref<4096xf32, #tpu.memory_space<hbm>> -> memref<32xf32, #tpu.memory_space<hbm>>
    tpu.wait_dma2 semaphore(%arg12 : memref<!tpu.dma_semaphore, #tpu.memory_space<semaphore_mem>>) src(%dma_wait3A_22 : memref<32xf32, #tpu.memory_space<hbm>>) dst(%arg9 : memref<32xf32, #tpu.memory_space<vmem>>)
    %dma_start3A_23 = arith.constant 0 : i32
    %dma_start3A_24 = arith.constant 0 : i32
    %dma_start3A_25 = tpu.memref_slice %arg4[%dma_start3A_23, %dma_start3A_24] : memref<4728x768xf32, #tpu.memory_space<hbm>> -> memref<4728x768xf32, #tpu.memory_space<hbm>>
    tpu.enqueue_indirect_dma source(%dma_start3A_25 : memref<4728x768xf32, #tpu.memory_space<hbm>>) target(%arg10 : memref<32x768xf32, #tpu.memory_space<vmem>>) offsets(%arg6 : memref<32xi32, #tpu.memory_space<vmem>>) semaphore(%arg12 : memref<!tpu.dma_semaphore, #tpu.memory_space<semaphore_mem>>)
    %dma_start3A_26 = arith.constant 0 : i32
    %dma_start3A_27 = arith.constant 0 : i32
    %dma_start3A_28 = tpu.memref_slice %arg4[%dma_start3A_26, %dma_start3A_27] : memref<4728x768xf32, #tpu.memory_space<hbm>> -> memref<4728x768xf32, #tpu.memory_space<hbm>>
    tpu.enqueue_indirect_dma source(%dma_start3A_28 : memref<4728x768xf32, #tpu.memory_space<hbm>>) target(%arg11 : memref<32x768xf32, #tpu.memory_space<vmem>>) offsets(%arg7 : memref<32xi32, #tpu.memory_space<vmem>>) semaphore(%arg12 : memref<!tpu.dma_semaphore, #tpu.memory_space<semaphore_mem>>)
    %dma_wait3A_29 = arith.constant 0 : i32
    %dma_wait3A_30 = arith.constant 0 : i32
    %dma_wait3A_31 = tpu.memref_slice %arg4[%dma_wait3A_29, %dma_wait3A_30] : memref<4728x768xf32, #tpu.memory_space<hbm>> -> memref<4728x768xf32, #tpu.memory_space<hbm>>
    tpu.wait_indirect_dma semaphore(%arg12 : memref<!tpu.dma_semaphore, #tpu.memory_space<semaphore_mem>>) src(%dma_wait3A_31 : memref<4728x768xf32, #tpu.memory_space<hbm>>) dst(%arg10 : memref<32x768xf32, #tpu.memory_space<vmem>>)
    %dma_wait3A_32 = arith.constant 0 : i32
    %dma_wait3A_33 = arith.constant 0 : i32
    %dma_wait3A_34 = tpu.memref_slice %arg4[%dma_wait3A_32, %dma_wait3A_33] : memref<4728x768xf32, #tpu.memory_space<hbm>> -> memref<4728x768xf32, #tpu.memory_space<hbm>>
    tpu.wait_indirect_dma semaphore(%arg12 : memref<!tpu.dma_semaphore, #tpu.memory_space<semaphore_mem>>) src(%dma_wait3A_34 : memref<4728x768xf32, #tpu.memory_space<hbm>>) dst(%arg11 : memref<32x768xf32, #tpu.memory_space<vmem>>)
    %scan3A = arith.constant 0 : i32
    %scan3A_35 = arith.constant 0 : i32
    %scan3A_36 = arith.constant 32 : i32
    %scan3A_37 = arith.addi %scan3A_35, %scan3A_36 : i32
    %scan3A_38 = arith.constant 1 : i32
    scf.for %scan3A_82 = %scan3A_35 to %scan3A_37 step %scan3A_38  : i32 {
      %div3A = arith.constant 16 : i32
      %div3A_83 = arith.divsi %scan3A_82, %div3A : i32
      %mul3A_84 = arith.constant 16 : i32
      %mul3A_85 = arith.muli %div3A_83, %mul3A_84 : i32
      %rem3A = arith.constant 16 : i32
      %rem3A_86 = arith.remsi %scan3A_82, %rem3A : i32
      %get3A = arith.index_cast %mul3A_85 : i32 to index
      %get3A_87 = tpu.vector_load %arg8[%get3A] {strides = array<i32>} : memref<32xf32, #tpu.memory_space<vmem>>, vector<16xf32>,
      %get3A_88 = vector.shape_cast %get3A_87 : vector<16xf32> to vector<16xf32>
      %broadcast_in_dim3A = vector.broadcast %rem3A_86 : i32 to vector<16x1xi32>
      %gather3A = vector.shape_cast %broadcast_in_dim3A : vector<16x1xi32> to vector<16xi32>
      %gather3A_89 = tpu.dynamic_gather %get3A_88[%gather3A] in [0] : vector<16xf32>, vector<16xi32> -> vector<16xf32>
      %get3A_90 = arith.index_cast %mul3A_85 : i32 to index
      %get3A_91 = tpu.vector_load %arg9[%get3A_90] {strides = array<i32>} : memref<32xf32, #tpu.memory_space<vmem>>, vector<16xf32>,
      %get3A_92 = vector.shape_cast %get3A_91 : vector<16xf32> to vector<16xf32>
      %broadcast_in_dim3A_93 = vector.broadcast %rem3A_86 : i32 to vector<16x1xi32>
      %gather3A_94 = vector.shape_cast %broadcast_in_dim3A_93 : vector<16x1xi32> to vector<16xi32>
      %gather3A_95 = tpu.dynamic_gather %get3A_92[%gather3A_94] in [0] : vector<16xf32>, vector<16xi32> -> vector<16xf32>
      %scan3A_96 = arith.constant 0 : i32
      %scan3A_97 = arith.constant 0 : i32
      %scan3A_98 = arith.constant 48 : i32
      %scan3A_99 = arith.addi %scan3A_97, %scan3A_98 : i32
      %scan3A_100 = arith.constant 1 : i32
      scf.for %scan3A_102 = %scan3A_97 to %scan3A_99 step %scan3A_100  : i32 {
        %mul3A_103 = arith.constant 16 : i32
        %mul3A_104 = arith.muli %scan3A_102, %mul3A_103 : i32
        %get3A_105 = arith.index_cast %scan3A_82 : i32 to index
        %get3A_106 = arith.index_cast %mul3A_104 : i32 to index
        %get3A_107 = tpu.vector_load %arg10[%get3A_105, %get3A_106] {strides = array<i32>} : memref<32x768xf32, #tpu.memory_space<vmem>>, vector<1x16xf32>,
        %get3A_108 = vector.shape_cast %get3A_107 : vector<1x16xf32> to vector<16xf32>
        %mul3A_109 = arith.mulf %gather3A_89, %get3A_108 : vector<16xf32>
        %get3A_110 = arith.index_cast %scan3A_82 : i32 to index
        %get3A_111 = arith.index_cast %mul3A_104 : i32 to index
        %get3A_112 = tpu.vector_load %arg11[%get3A_110, %get3A_111] {strides = array<i32>} : memref<32x768xf32, #tpu.memory_space<vmem>>, vector<1x16xf32>,
        %get3A_113 = vector.shape_cast %get3A_112 : vector<1x16xf32> to vector<16xf32>
        %mul3A_114 = arith.mulf %gather3A_95, %get3A_113 : vector<16xf32>
        %add3A_115 = arith.addf %mul3A_109, %mul3A_114 : vector<16xf32>
        %swap3A = arith.index_cast %scan3A_82 : i32 to index
        %swap3A_116 = arith.index_cast %mul3A_104 : i32 to index
        %swap3A_117 = tpu.vector_load %arg10[%swap3A, %swap3A_116] {strides = array<i32>} : memref<32x768xf32, #tpu.memory_space<vmem>>, vector<1x16xf32>,
        %swap3A_118 = vector.shape_cast %swap3A_117 : vector<1x16xf32> to vector<16xf32>
        %swap3A_119 = vector.shape_cast %add3A_115 : vector<16xf32> to vector<1x16xf32>
        tpu.vector_store %arg10[%swap3A, %swap3A_116], %swap3A_119 {strides = array<i32>} : memref<32x768xf32, #tpu.memory_space<vmem>>, vector<1x16xf32>,
      }
      %scan3A_101 = arith.constant 48 : i32
    }
    %scan3A_39 = arith.constant 32 : i32
    "tpu.region"() ({
      %run_scoped3A = tpu.sem_alloc : memref<!tpu.dma_semaphore, #tpu.memory_space<semaphore_mem>>
      %dma_start3A_82 = arith.constant 0 : i32
      %dma_start3A_83 = tpu.memref_slice %arg5[%add3A_4, %dma_start3A_82] : memref<2048x768xf32, #tpu.memory_space<hbm>> -> memref<32x768xf32, #tpu.memory_space<hbm>>
      %dma_start3A_84 = arith.constant 0 : i32
      %dma_start3A_85 = tpu.memref_slice %arg5[%add3A_4, %dma_start3A_84] : memref<2048x768xf32, #tpu.memory_space<hbm>> -> memref<32x768xf32, #tpu.memory_space<hbm>>
      tpu.enqueue_dma source(%arg10 : memref<32x768xf32, #tpu.memory_space<vmem>>) target(%dma_start3A_85 : memref<32x768xf32, #tpu.memory_space<hbm>>) target_semaphore(%run_scoped3A : memref<!tpu.dma_semaphore, #tpu.memory_space<semaphore_mem>>)
      %dma_wait3A_86 = arith.constant 0 : i32
      %dma_wait3A_87 = tpu.memref_slice %arg5[%add3A_4, %dma_wait3A_86] : memref<2048x768xf32, #tpu.memory_space<hbm>> -> memref<32x768xf32, #tpu.memory_space<hbm>>
      %dma_wait3A_88 = arith.constant 0 : i32
      %dma_wait3A_89 = tpu.memref_slice %arg5[%add3A_4, %dma_wait3A_88] : memref<2048x768xf32, #tpu.memory_space<hbm>> -> memref<32x768xf32, #tpu.memory_space<hbm>>
      tpu.wait_dma2 semaphore(%run_scoped3A : memref<!tpu.dma_semaphore, #tpu.memory_space<semaphore_mem>>) src(%arg10 : memref<32x768xf32, #tpu.memory_space<vmem>>) dst(%dma_wait3A_89 : memref<32x768xf32, #tpu.memory_space<hbm>>)
      tpu.yield
    }) : () -> ()
    %mul3A_40 = arith.constant 64 : i32
    %mul3A_41 = arith.muli %add3A, %mul3A_40 : i32
    %add3A_42 = arith.constant 32 : i32
    %add3A_43 = arith.addi %mul3A_41, %add3A_42 : i32
    %dma_start3A_44 = tpu.memref_slice %arg2[%add3A_43] : memref<4096xi32, #tpu.memory_space<hbm>> -> memref<32xi32, #tpu.memory_space<hbm>>
    %dma_start3A_45 = tpu.memref_slice %arg2[%add3A_43] : memref<4096xi32, #tpu.memory_space<hbm>> -> memref<32xi32, #tpu.memory_space<hbm>>
    tpu.enqueue_dma source(%dma_start3A_45 : memref<32xi32, #tpu.memory_space<hbm>>) target(%arg6 : memref<32xi32, #tpu.memory_space<vmem>>) target_semaphore(%arg12 : memref<!tpu.dma_semaphore, #tpu.memory_space<semaphore_mem>>)
    %add3A_46 = arith.constant 2048 : i32
    %add3A_47 = arith.addi %add3A_46, %add3A_43 : i32
    %dma_start3A_48 = tpu.memref_slice %arg2[%add3A_47] : memref<4096xi32, #tpu.memory_space<hbm>> -> memref<32xi32, #tpu.memory_space<hbm>>
    %dma_start3A_49 = tpu.memref_slice %arg2[%add3A_47] : memref<4096xi32, #tpu.memory_space<hbm>> -> memref<32xi32, #tpu.memory_space<hbm>>
    tpu.enqueue_dma source(%dma_start3A_49 : memref<32xi32, #tpu.memory_space<hbm>>) target(%arg7 : memref<32xi32, #tpu.memory_space<vmem>>) target_semaphore(%arg12 : memref<!tpu.dma_semaphore, #tpu.memory_space<semaphore_mem>>)
    %dma_start3A_50 = tpu.memref_slice %arg3[%add3A_43] : memref<4096xf32, #tpu.memory_space<hbm>> -> memref<32xf32, #tpu.memory_space<hbm>>
    %dma_start3A_51 = tpu.memref_slice %arg3[%add3A_43] : memref<4096xf32, #tpu.memory_space<hbm>> -> memref<32xf32, #tpu.memory_space<hbm>>
    tpu.enqueue_dma source(%dma_start3A_51 : memref<32xf32, #tpu.memory_space<hbm>>) target(%arg8 : memref<32xf32, #tpu.memory_space<vmem>>) target_semaphore(%arg12 : memref<!tpu.dma_semaphore, #tpu.memory_space<semaphore_mem>>)
    %add3A_52 = arith.constant 2048 : i32
    %add3A_53 = arith.addi %add3A_52, %add3A_43 : i32
    %dma_start3A_54 = tpu.memref_slice %arg3[%add3A_53] : memref<4096xf32, #tpu.memory_space<hbm>> -> memref<32xf32, #tpu.memory_space<hbm>>
    %dma_start3A_55 = tpu.memref_slice %arg3[%add3A_53] : memref<4096xf32, #tpu.memory_space<hbm>> -> memref<32xf32, #tpu.memory_space<hbm>>
    tpu.enqueue_dma source(%dma_start3A_55 : memref<32xf32, #tpu.memory_space<hbm>>) target(%arg9 : memref<32xf32, #tpu.memory_space<vmem>>) target_semaphore(%arg12 : memref<!tpu.dma_semaphore, #tpu.memory_space<semaphore_mem>>)
    %dma_wait3A_56 = tpu.memref_slice %arg2[%add3A_43] : memref<4096xi32, #tpu.memory_space<hbm>> -> memref<32xi32, #tpu.memory_space<hbm>>
    %dma_wait3A_57 = tpu.memref_slice %arg2[%add3A_43] : memref<4096xi32, #tpu.memory_space<hbm>> -> memref<32xi32, #tpu.memory_space<hbm>>
    tpu.wait_dma2 semaphore(%arg12 : memref<!tpu.dma_semaphore, #tpu.memory_space<semaphore_mem>>) src(%dma_wait3A_57 : memref<32xi32, #tpu.memory_space<hbm>>) dst(%arg6 : memref<32xi32, #tpu.memory_space<vmem>>)
    %dma_wait3A_58 = tpu.memref_slice %arg2[%add3A_47] : memref<4096xi32, #tpu.memory_space<hbm>> -> memref<32xi32, #tpu.memory_space<hbm>>
    %dma_wait3A_59 = tpu.memref_slice %arg2[%add3A_47] : memref<4096xi32, #tpu.memory_space<hbm>> -> memref<32xi32, #tpu.memory_space<hbm>>
    tpu.wait_dma2 semaphore(%arg12 : memref<!tpu.dma_semaphore, #tpu.memory_space<semaphore_mem>>) src(%dma_wait3A_59 : memref<32xi32, #tpu.memory_space<hbm>>) dst(%arg7 : memref<32xi32, #tpu.memory_space<vmem>>)
    %dma_wait3A_60 = tpu.memref_slice %arg3[%add3A_43] : memref<4096xf32, #tpu.memory_space<hbm>> -> memref<32xf32, #tpu.memory_space<hbm>>
    %dma_wait3A_61 = tpu.memref_slice %arg3[%add3A_43] : memref<4096xf32, #tpu.memory_space<hbm>> -> memref<32xf32, #tpu.memory_space<hbm>>
    tpu.wait_dma2 semaphore(%arg12 : memref<!tpu.dma_semaphore, #tpu.memory_space<semaphore_mem>>) src(%dma_wait3A_61 : memref<32xf32, #tpu.memory_space<hbm>>) dst(%arg8 : memref<32xf32, #tpu.memory_space<vmem>>)
    %dma_wait3A_62 = tpu.memref_slice %arg3[%add3A_53] : memref<4096xf32, #tpu.memory_space<hbm>> -> memref<32xf32, #tpu.memory_space<hbm>>
    %dma_wait3A_63 = tpu.memref_slice %arg3[%add3A_53] : memref<4096xf32, #tpu.memory_space<hbm>> -> memref<32xf32, #tpu.memory_space<hbm>>
    tpu.wait_dma2 semaphore(%arg12 : memref<!tpu.dma_semaphore, #tpu.memory_space<semaphore_mem>>) src(%dma_wait3A_63 : memref<32xf32, #tpu.memory_space<hbm>>) dst(%arg9 : memref<32xf32, #tpu.memory_space<vmem>>)
    %dma_start3A_64 = arith.constant 0 : i32
    %dma_start3A_65 = arith.constant 0 : i32
    %dma_start3A_66 = tpu.memref_slice %arg4[%dma_start3A_64, %dma_start3A_65] : memref<4728x768xf32, #tpu.memory_space<hbm>> -> memref<4728x768xf32, #tpu.memory_space<hbm>>
    tpu.enqueue_indirect_dma source(%dma_start3A_66 : memref<4728x768xf32, #tpu.memory_space<hbm>>) target(%arg10 : memref<32x768xf32, #tpu.memory_space<vmem>>) offsets(%arg6 : memref<32xi32, #tpu.memory_space<vmem>>) semaphore(%arg12 : memref<!tpu.dma_semaphore, #tpu.memory_space<semaphore_mem>>)
    %dma_start3A_67 = arith.constant 0 : i32
    %dma_start3A_68 = arith.constant 0 : i32
    %dma_start3A_69 = tpu.memref_slice %arg4[%dma_start3A_67, %dma_start3A_68] : memref<4728x768xf32, #tpu.memory_space<hbm>> -> memref<4728x768xf32, #tpu.memory_space<hbm>>
    tpu.enqueue_indirect_dma source(%dma_start3A_69 : memref<4728x768xf32, #tpu.memory_space<hbm>>) target(%arg11 : memref<32x768xf32, #tpu.memory_space<vmem>>) offsets(%arg7 : memref<32xi32, #tpu.memory_space<vmem>>) semaphore(%arg12 : memref<!tpu.dma_semaphore, #tpu.memory_space<semaphore_mem>>)
    %dma_wait3A_70 = arith.constant 0 : i32
    %dma_wait3A_71 = arith.constant 0 : i32
    %dma_wait3A_72 = tpu.memref_slice %arg4[%dma_wait3A_70, %dma_wait3A_71] : memref<4728x768xf32, #tpu.memory_space<hbm>> -> memref<4728x768xf32, #tpu.memory_space<hbm>>
    tpu.wait_indirect_dma semaphore(%arg12 : memref<!tpu.dma_semaphore, #tpu.memory_space<semaphore_mem>>) src(%dma_wait3A_72 : memref<4728x768xf32, #tpu.memory_space<hbm>>) dst(%arg10 : memref<32x768xf32, #tpu.memory_space<vmem>>)
    %dma_wait3A_73 = arith.constant 0 : i32
    %dma_wait3A_74 = arith.constant 0 : i32
    %dma_wait3A_75 = tpu.memref_slice %arg4[%dma_wait3A_73, %dma_wait3A_74] : memref<4728x768xf32, #tpu.memory_space<hbm>> -> memref<4728x768xf32, #tpu.memory_space<hbm>>
    tpu.wait_indirect_dma semaphore(%arg12 : memref<!tpu.dma_semaphore, #tpu.memory_space<semaphore_mem>>) src(%dma_wait3A_75 : memref<4728x768xf32, #tpu.memory_space<hbm>>) dst(%arg11 : memref<32x768xf32, #tpu.memory_space<vmem>>)
    %scan3A_76 = arith.constant 0 : i32
    %scan3A_77 = arith.constant 0 : i32
    %scan3A_78 = arith.constant 32 : i32
    %scan3A_79 = arith.addi %scan3A_77, %scan3A_78 : i32
    %scan3A_80 = arith.constant 1 : i32
    scf.for %scan3A_82 = %scan3A_77 to %scan3A_79 step %scan3A_80  : i32 {
      %div3A = arith.constant 16 : i32
      %div3A_83 = arith.divsi %scan3A_82, %div3A : i32
      %mul3A_84 = arith.constant 16 : i32
      %mul3A_85 = arith.muli %div3A_83, %mul3A_84 : i32
      %rem3A = arith.constant 16 : i32
      %rem3A_86 = arith.remsi %scan3A_82, %rem3A : i32
      %get3A = arith.index_cast %mul3A_85 : i32 to index
      %get3A_87 = tpu.vector_load %arg8[%get3A] {strides = array<i32>} : memref<32xf32, #tpu.memory_space<vmem>>, vector<16xf32>,
      %get3A_88 = vector.shape_cast %get3A_87 : vector<16xf32> to vector<16xf32>
      %broadcast_in_dim3A = vector.broadcast %rem3A_86 : i32 to vector<16x1xi32>
      %gather3A = vector.shape_cast %broadcast_in_dim3A : vector<16x1xi32> to vector<16xi32>
      %gather3A_89 = tpu.dynamic_gather %get3A_88[%gather3A] in [0] : vector<16xf32>, vector<16xi32> -> vector<16xf32>
      %get3A_90 = arith.index_cast %mul3A_85 : i32 to index
      %get3A_91 = tpu.vector_load %arg9[%get3A_90] {strides = array<i32>} : memref<32xf32, #tpu.memory_space<vmem>>, vector<16xf32>,
      %get3A_92 = vector.shape_cast %get3A_91 : vector<16xf32> to vector<16xf32>
      %broadcast_in_dim3A_93 = vector.broadcast %rem3A_86 : i32 to vector<16x1xi32>
      %gather3A_94 = vector.shape_cast %broadcast_in_dim3A_93 : vector<16x1xi32> to vector<16xi32>
      %gather3A_95 = tpu.dynamic_gather %get3A_92[%gather3A_94] in [0] : vector<16xf32>, vector<16xi32> -> vector<16xf32>
      %scan3A_96 = arith.constant 0 : i32
      %scan3A_97 = arith.constant 0 : i32
      %scan3A_98 = arith.constant 48 : i32
      %scan3A_99 = arith.addi %scan3A_97, %scan3A_98 : i32
      %scan3A_100 = arith.constant 1 : i32
      scf.for %scan3A_102 = %scan3A_97 to %scan3A_99 step %scan3A_100  : i32 {
        %mul3A_103 = arith.constant 16 : i32
        %mul3A_104 = arith.muli %scan3A_102, %mul3A_103 : i32
        %get3A_105 = arith.index_cast %scan3A_82 : i32 to index
        %get3A_106 = arith.index_cast %mul3A_104 : i32 to index
        %get3A_107 = tpu.vector_load %arg10[%get3A_105, %get3A_106] {strides = array<i32>} : memref<32x768xf32, #tpu.memory_space<vmem>>, vector<1x16xf32>,
        %get3A_108 = vector.shape_cast %get3A_107 : vector<1x16xf32> to vector<16xf32>
        %mul3A_109 = arith.mulf %gather3A_89, %get3A_108 : vector<16xf32>
        %get3A_110 = arith.index_cast %scan3A_82 : i32 to index
        %get3A_111 = arith.index_cast %mul3A_104 : i32 to index
        %get3A_112 = tpu.vector_load %arg11[%get3A_110, %get3A_111] {strides = array<i32>} : memref<32x768xf32, #tpu.memory_space<vmem>>, vector<1x16xf32>,
        %get3A_113 = vector.shape_cast %get3A_112 : vector<1x16xf32> to vector<16xf32>
        %mul3A_114 = arith.mulf %gather3A_95, %get3A_113 : vector<16xf32>
        %add3A_115 = arith.addf %mul3A_109, %mul3A_114 : vector<16xf32>
        %swap3A = arith.index_cast %scan3A_82 : i32 to index
        %swap3A_116 = arith.index_cast %mul3A_104 : i32 to index
        %swap3A_117 = tpu.vector_load %arg10[%swap3A, %swap3A_116] {strides = array<i32>} : memref<32x768xf32, #tpu.memory_space<vmem>>, vector<1x16xf32>,
        %swap3A_118 = vector.shape_cast %swap3A_117 : vector<1x16xf32> to vector<16xf32>
        %swap3A_119 = vector.shape_cast %add3A_115 : vector<16xf32> to vector<1x16xf32>
        tpu.vector_store %arg10[%swap3A, %swap3A_116], %swap3A_119 {strides = array<i32>} : memref<32x768xf32, #tpu.memory_space<vmem>>, vector<1x16xf32>,
      }
      %scan3A_101 = arith.constant 48 : i32
    }
    %scan3A_81 = arith.constant 32 : i32
    "tpu.region"() ({
      %run_scoped3A = tpu.sem_alloc : memref<!tpu.dma_semaphore, #tpu.memory_space<semaphore_mem>>
      %dma_start3A_82 = arith.constant 0 : i32
      %dma_start3A_83 = tpu.memref_slice %arg5[%add3A_43, %dma_start3A_82] : memref<2048x768xf32, #tpu.memory_space<hbm>> -> memref<32x768xf32, #tpu.memory_space<hbm>>
      %dma_start3A_84 = arith.constant 0 : i32
      %dma_start3A_85 = tpu.memref_slice %arg5[%add3A_43, %dma_start3A_84] : memref<2048x768xf32, #tpu.memory_space<hbm>> -> memref<32x768xf32, #tpu.memory_space<hbm>>
      tpu.enqueue_dma source(%arg10 : memref<32x768xf32, #tpu.memory_space<vmem>>) target(%dma_start3A_85 : memref<32x768xf32, #tpu.memory_space<hbm>>) target_semaphore(%run_scoped3A : memref<!tpu.dma_semaphore, #tpu.memory_space<semaphore_mem>>)
      %dma_wait3A_86 = arith.constant 0 : i32
      %dma_wait3A_87 = tpu.memref_slice %arg5[%add3A_43, %dma_wait3A_86] : memref<2048x768xf32, #tpu.memory_space<hbm>> -> memref<32x768xf32, #tpu.memory_space<hbm>>
      %dma_wait3A_88 = arith.constant 0 : i32
      %dma_wait3A_89 = tpu.memref_slice %arg5[%add3A_43, %dma_wait3A_88] : memref<2048x768xf32, #tpu.memory_space<hbm>> -> memref<32x768xf32, #tpu.memory_space<hbm>>
      tpu.wait_dma2 semaphore(%run_scoped3A : memref<!tpu.dma_semaphore, #tpu.memory_space<semaphore_mem>>) src(%arg10 : memref<32x768xf32, #tpu.memory_space<vmem>>) dst(%dma_wait3A_89 : memref<32x768xf32, #tpu.memory_space<hbm>>)
      tpu.yield
    }) : () -> ()
    return
  }
}

module attributes {stable_mosaic.version = 14 : i64} {
  func.func @_router_body(%arg0: memref<2048x768xf32, #tpu.memory_space<vmem>>, %arg1: memref<64x768xf32, #tpu.memory_space<vmem>>, %arg2: memref<2048x64xf32, #tpu.memory_space<vmem>>, %arg3: memref<2048x2xf32, #tpu.memory_space<vmem>>, %arg4: memref<4096x1xi32, #tpu.memory_space<vmem>>, %arg5: memref<1x128xi32, #tpu.memory_space<vmem>>) attributes {dimension_semantics = [], scalar_prefetch = 0 : i64, scratch_operands = 0 : i64, tpu.core_type = #tpu.core_type<tc>} {
    %get3A = arith.constant 0 : index
    %get3A_0 = arith.constant 0 : index
    %get3A_1 = vector.load %arg0[%get3A, %get3A_0] : memref<2048x768xf32, #tpu.memory_space<vmem>>, vector<2048x768xf32>
    %get3A_2 = arith.constant 0 : index
    %get3A_3 = arith.constant 0 : index
    %get3A_4 = vector.load %arg1[%get3A_2, %get3A_3] : memref<64x768xf32, #tpu.memory_space<vmem>>, vector<64x768xf32>
    %dot_general3A = arith.constant dense<0.000000e+00> : vector<2048x64xf32>
    %dot_general3A_5 = tpu.matmul %get3A_1, %get3A_4, %dot_general3A {dimension_numbers = #tpu.dot_dimension_numbers<[1], [1], [0], [0], [0, 0, 1, 0], [], []>, transpose_lhs_hint = false} : vector<2048x768xf32>, vector<64x768xf32>, vector<2048x64xf32> -> vector<2048x64xf32>
    %swap3A = arith.constant 0 : index
    %swap3A_6 = arith.constant 0 : index
    %swap3A_7 = vector.load %arg2[%swap3A, %swap3A_6] : memref<2048x64xf32, #tpu.memory_space<vmem>>, vector<2048x64xf32>
    tpu.vector_store %arg2[%swap3A, %swap3A_6], %dot_general3A_5 {strides = array<i32>} : memref<2048x64xf32, #tpu.memory_space<vmem>>, vector<2048x64xf32>,
    %reduce_max3A = arith.constant dense<0xFF800000> : vector<2048xf32>
    %reduce_max3A_8 = vector.multi_reduction <maximumf>, %dot_general3A_5, %reduce_max3A [1] : vector<2048x64xf32> to vector<2048xf32>
    %broadcast_in_dim3A = vector.shape_cast %reduce_max3A_8 : vector<2048xf32> to vector<2048x1xf32>
    %eq3A = vector.broadcast %broadcast_in_dim3A : vector<2048x1xf32> to vector<2048x64xf32>
    %eq3A_9 = arith.cmpf oeq, %dot_general3A_5, %eq3A : vector<2048x64xf32>
    %convert_element_type3A = arith.extui %eq3A_9 : vector<2048x64xi1> to vector<2048x64xi32>
    %broadcast_in_dim3A_10 = arith.constant 0 : i32
    %broadcast_in_dim3A_11 = vector.broadcast %broadcast_in_dim3A_10 : i32 to vector<2048x1xi32>
    %slice3A = vector.extract_strided_slice %convert_element_type3A {offsets = [0, 0], sizes = [2048, 63], strides = [1, 1]} : vector<2048x64xi32> to vector<2048x63xi32>
    %concatenate3A = tpu.concatenate %broadcast_in_dim3A_11, %slice3A in 1 : vector<2048x1xi32>, vector<2048x63xi32> -> vector<2048x64xi32>
    %add3A = arith.addi %convert_element_type3A, %concatenate3A : vector<2048x64xi32>
    %broadcast_in_dim3A_12 = arith.constant 0 : i32
    %broadcast_in_dim3A_13 = vector.broadcast %broadcast_in_dim3A_12 : i32 to vector<2048x2xi32>
    %slice3A_14 = vector.extract_strided_slice %add3A {offsets = [0, 0], sizes = [2048, 62], strides = [1, 1]} : vector<2048x64xi32> to vector<2048x62xi32>
    %concatenate3A_15 = tpu.concatenate %broadcast_in_dim3A_13, %slice3A_14 in 1 : vector<2048x2xi32>, vector<2048x62xi32> -> vector<2048x64xi32>
    %add3A_16 = arith.addi %add3A, %concatenate3A_15 : vector<2048x64xi32>
    %broadcast_in_dim3A_17 = arith.constant 0 : i32
    %broadcast_in_dim3A_18 = vector.broadcast %broadcast_in_dim3A_17 : i32 to vector<2048x4xi32>
    %slice3A_19 = vector.extract_strided_slice %add3A_16 {offsets = [0, 0], sizes = [2048, 60], strides = [1, 1]} : vector<2048x64xi32> to vector<2048x60xi32>
    %concatenate3A_20 = tpu.concatenate %broadcast_in_dim3A_18, %slice3A_19 in 1 : vector<2048x4xi32>, vector<2048x60xi32> -> vector<2048x64xi32>
    %add3A_21 = arith.addi %add3A_16, %concatenate3A_20 : vector<2048x64xi32>
    %broadcast_in_dim3A_22 = arith.constant 0 : i32
    %broadcast_in_dim3A_23 = vector.broadcast %broadcast_in_dim3A_22 : i32 to vector<2048x8xi32>
    %slice3A_24 = vector.extract_strided_slice %add3A_21 {offsets = [0, 0], sizes = [2048, 56], strides = [1, 1]} : vector<2048x64xi32> to vector<2048x56xi32>
    %concatenate3A_25 = tpu.concatenate %broadcast_in_dim3A_23, %slice3A_24 in 1 : vector<2048x8xi32>, vector<2048x56xi32> -> vector<2048x64xi32>
    %add3A_26 = arith.addi %add3A_21, %concatenate3A_25 : vector<2048x64xi32>
    %broadcast_in_dim3A_27 = arith.constant 0 : i32
    %broadcast_in_dim3A_28 = vector.broadcast %broadcast_in_dim3A_27 : i32 to vector<2048x16xi32>
    %slice3A_29 = vector.extract_strided_slice %add3A_26 {offsets = [0, 0], sizes = [2048, 48], strides = [1, 1]} : vector<2048x64xi32> to vector<2048x48xi32>
    %concatenate3A_30 = tpu.concatenate %broadcast_in_dim3A_28, %slice3A_29 in 1 : vector<2048x16xi32>, vector<2048x48xi32> -> vector<2048x64xi32>
    %add3A_31 = arith.addi %add3A_26, %concatenate3A_30 : vector<2048x64xi32>
    %broadcast_in_dim3A_32 = arith.constant 0 : i32
    %broadcast_in_dim3A_33 = vector.broadcast %broadcast_in_dim3A_32 : i32 to vector<2048x32xi32>
    %slice3A_34 = vector.extract_strided_slice %add3A_31 {offsets = [0, 0], sizes = [2048, 32], strides = [1, 1]} : vector<2048x64xi32> to vector<2048x32xi32>
    %concatenate3A_35 = tpu.concatenate %broadcast_in_dim3A_33, %slice3A_34 in 1 : vector<2048x32xi32>, vector<2048x32xi32> -> vector<2048x64xi32>
    %add3A_36 = arith.addi %add3A_31, %concatenate3A_35 : vector<2048x64xi32>
    %eq3A_37 = arith.constant 1 : i32
    %eq3A_38 = vector.broadcast %eq3A_37 : i32 to vector<2048x64xi32>
    %eq3A_39 = arith.cmpi eq, %add3A_36, %eq3A_38 : vector<2048x64xi32>
    %and3A = arith.andi %eq3A_9, %eq3A_39 : vector<2048x64xi1>
    %abs3A = math.absf %dot_general3A_5 : vector<2048x64xf32>
    %max3A = vector.broadcast %broadcast_in_dim3A : vector<2048x1xf32> to vector<2048x64xf32>
    %max3A_40 = arith.maximumf %abs3A, %max3A : vector<2048x64xf32>
    %sub3A = vector.broadcast %broadcast_in_dim3A : vector<2048x1xf32> to vector<2048x64xf32>
    %sub3A_41 = arith.subf %sub3A, %dot_general3A_5 : vector<2048x64xf32>
    %div3A = arith.divf %sub3A_41, %max3A_40 : vector<2048x64xf32>
    %gt3A = arith.constant 2.000000e-02 : f32
    %gt3A_42 = vector.broadcast %gt3A : f32 to vector<2048x64xf32>
    %gt3A_43 = arith.cmpf ogt, %div3A, %gt3A_42 : vector<2048x64xf32>
    %jit3A = arith.constant 0xFF800000 : f32
    %broadcast_in_dim3A_44 = vector.broadcast %jit3A : f32 to vector<2048x64xf32>
    %select_n3A = arith.select %gt3A_43, %broadcast_in_dim3A_44, %dot_general3A_5 : vector<2048x64xi1>, vector<2048x64xf32>
    %sub3A_45 = vector.broadcast %broadcast_in_dim3A : vector<2048x1xf32> to vector<2048x64xf32>
    %sub3A_46 = arith.subf %select_n3A, %sub3A_45 : vector<2048x64xf32>
    %exp3A = math.exp %sub3A_46 : vector<2048x64xf32>
    %jit3A_47 = arith.constant 0.000000e+00 : f32
    %broadcast_in_dim3A_48 = vector.broadcast %jit3A_47 : f32 to vector<2048x64xf32>
    %select_n3A_49 = arith.select %and3A, %exp3A, %broadcast_in_dim3A_48 : vector<2048x64xi1>, vector<2048x64xf32>
    %reduce_sum3A = arith.constant dense<0.000000e+00> : vector<2048xf32>
    %reduce_sum3A_50 = vector.multi_reduction <add>, %select_n3A_49, %reduce_sum3A [1] : vector<2048x64xf32> to vector<2048xf32>
    %broadcast_in_dim3A_51 = vector.shape_cast %reduce_sum3A_50 : vector<2048xf32> to vector<2048x1xf32>
    %reduce_sum3A_52 = arith.constant dense<0.000000e+00> : vector<2048xf32>
    %reduce_sum3A_53 = vector.multi_reduction <add>, %exp3A, %reduce_sum3A_52 [1] : vector<2048x64xf32> to vector<2048xf32>
    %broadcast_in_dim3A_54 = vector.shape_cast %reduce_sum3A_53 : vector<2048xf32> to vector<2048x1xf32>
    %div3A_55 = arith.divf %broadcast_in_dim3A_51, %broadcast_in_dim3A_54 : vector<2048x1xf32>
    %jit3A_56 = arith.constant 0xFF800000 : f32
    %broadcast_in_dim3A_57 = vector.broadcast %jit3A_56 : f32 to vector<2048x64xf32>
    %select_n3A_58 = arith.select %and3A, %broadcast_in_dim3A_57, %dot_general3A_5 : vector<2048x64xi1>, vector<2048x64xf32>
    %reduce_max3A_59 = arith.constant dense<0xFF800000> : vector<2048xf32>
    %reduce_max3A_60 = vector.multi_reduction <maximumf>, %select_n3A_58, %reduce_max3A_59 [1] : vector<2048x64xf32> to vector<2048xf32>
    %broadcast_in_dim3A_61 = vector.shape_cast %reduce_max3A_60 : vector<2048xf32> to vector<2048x1xf32>
    %eq3A_62 = vector.broadcast %broadcast_in_dim3A_61 : vector<2048x1xf32> to vector<2048x64xf32>
    %eq3A_63 = arith.cmpf oeq, %select_n3A_58, %eq3A_62 : vector<2048x64xf32>
    %convert_element_type3A_64 = arith.extui %eq3A_63 : vector<2048x64xi1> to vector<2048x64xi32>
    %broadcast_in_dim3A_65 = arith.constant 0 : i32
    %broadcast_in_dim3A_66 = vector.broadcast %broadcast_in_dim3A_65 : i32 to vector<2048x1xi32>
    %slice3A_67 = vector.extract_strided_slice %convert_element_type3A_64 {offsets = [0, 0], sizes = [2048, 63], strides = [1, 1]} : vector<2048x64xi32> to vector<2048x63xi32>
    %concatenate3A_68 = tpu.concatenate %broadcast_in_dim3A_66, %slice3A_67 in 1 : vector<2048x1xi32>, vector<2048x63xi32> -> vector<2048x64xi32>
    %add3A_69 = arith.addi %convert_element_type3A_64, %concatenate3A_68 : vector<2048x64xi32>
    %broadcast_in_dim3A_70 = arith.constant 0 : i32
    %broadcast_in_dim3A_71 = vector.broadcast %broadcast_in_dim3A_70 : i32 to vector<2048x2xi32>
    %slice3A_72 = vector.extract_strided_slice %add3A_69 {offsets = [0, 0], sizes = [2048, 62], strides = [1, 1]} : vector<2048x64xi32> to vector<2048x62xi32>
    %concatenate3A_73 = tpu.concatenate %broadcast_in_dim3A_71, %slice3A_72 in 1 : vector<2048x2xi32>, vector<2048x62xi32> -> vector<2048x64xi32>
    %add3A_74 = arith.addi %add3A_69, %concatenate3A_73 : vector<2048x64xi32>
    %broadcast_in_dim3A_75 = arith.constant 0 : i32
    %broadcast_in_dim3A_76 = vector.broadcast %broadcast_in_dim3A_75 : i32 to vector<2048x4xi32>
    %slice3A_77 = vector.extract_strided_slice %add3A_74 {offsets = [0, 0], sizes = [2048, 60], strides = [1, 1]} : vector<2048x64xi32> to vector<2048x60xi32>
    %concatenate3A_78 = tpu.concatenate %broadcast_in_dim3A_76, %slice3A_77 in 1 : vector<2048x4xi32>, vector<2048x60xi32> -> vector<2048x64xi32>
    %add3A_79 = arith.addi %add3A_74, %concatenate3A_78 : vector<2048x64xi32>
    %broadcast_in_dim3A_80 = arith.constant 0 : i32
    %broadcast_in_dim3A_81 = vector.broadcast %broadcast_in_dim3A_80 : i32 to vector<2048x8xi32>
    %slice3A_82 = vector.extract_strided_slice %add3A_79 {offsets = [0, 0], sizes = [2048, 56], strides = [1, 1]} : vector<2048x64xi32> to vector<2048x56xi32>
    %concatenate3A_83 = tpu.concatenate %broadcast_in_dim3A_81, %slice3A_82 in 1 : vector<2048x8xi32>, vector<2048x56xi32> -> vector<2048x64xi32>
    %add3A_84 = arith.addi %add3A_79, %concatenate3A_83 : vector<2048x64xi32>
    %broadcast_in_dim3A_85 = arith.constant 0 : i32
    %broadcast_in_dim3A_86 = vector.broadcast %broadcast_in_dim3A_85 : i32 to vector<2048x16xi32>
    %slice3A_87 = vector.extract_strided_slice %add3A_84 {offsets = [0, 0], sizes = [2048, 48], strides = [1, 1]} : vector<2048x64xi32> to vector<2048x48xi32>
    %concatenate3A_88 = tpu.concatenate %broadcast_in_dim3A_86, %slice3A_87 in 1 : vector<2048x16xi32>, vector<2048x48xi32> -> vector<2048x64xi32>
    %add3A_89 = arith.addi %add3A_84, %concatenate3A_88 : vector<2048x64xi32>
    %broadcast_in_dim3A_90 = arith.constant 0 : i32
    %broadcast_in_dim3A_91 = vector.broadcast %broadcast_in_dim3A_90 : i32 to vector<2048x32xi32>
    %slice3A_92 = vector.extract_strided_slice %add3A_89 {offsets = [0, 0], sizes = [2048, 32], strides = [1, 1]} : vector<2048x64xi32> to vector<2048x32xi32>
    %concatenate3A_93 = tpu.concatenate %broadcast_in_dim3A_91, %slice3A_92 in 1 : vector<2048x32xi32>, vector<2048x32xi32> -> vector<2048x64xi32>
    %add3A_94 = arith.addi %add3A_89, %concatenate3A_93 : vector<2048x64xi32>
    %eq3A_95 = arith.constant 1 : i32
    %eq3A_96 = vector.broadcast %eq3A_95 : i32 to vector<2048x64xi32>
    %eq3A_97 = arith.cmpi eq, %add3A_94, %eq3A_96 : vector<2048x64xi32>
    %and3A_98 = arith.andi %eq3A_63, %eq3A_97 : vector<2048x64xi1>
    %abs3A_99 = math.absf %dot_general3A_5 : vector<2048x64xf32>
    %max3A_100 = vector.broadcast %broadcast_in_dim3A_61 : vector<2048x1xf32> to vector<2048x64xf32>
    %max3A_101 = arith.maximumf %abs3A_99, %max3A_100 : vector<2048x64xf32>
    %sub3A_102 = vector.broadcast %broadcast_in_dim3A_61 : vector<2048x1xf32> to vector<2048x64xf32>
    %sub3A_103 = arith.subf %sub3A_102, %dot_general3A_5 : vector<2048x64xf32>
    %div3A_104 = arith.divf %sub3A_103, %max3A_101 : vector<2048x64xf32>
    %gt3A_105 = arith.constant 2.000000e-02 : f32
    %gt3A_106 = vector.broadcast %gt3A_105 : f32 to vector<2048x64xf32>
    %gt3A_107 = arith.cmpf ogt, %div3A_104, %gt3A_106 : vector<2048x64xf32>
    %jit3A_108 = arith.constant 0xFF800000 : f32
    %broadcast_in_dim3A_109 = vector.broadcast %jit3A_108 : f32 to vector<2048x64xf32>
    %select_n3A_110 = arith.select %gt3A_107, %broadcast_in_dim3A_109, %select_n3A_58 : vector<2048x64xi1>, vector<2048x64xf32>
    %sub3A_111 = vector.broadcast %broadcast_in_dim3A_61 : vector<2048x1xf32> to vector<2048x64xf32>
    %sub3A_112 = arith.subf %select_n3A_110, %sub3A_111 : vector<2048x64xf32>
    %exp3A_113 = math.exp %sub3A_112 : vector<2048x64xf32>
    %jit3A_114 = arith.constant 0.000000e+00 : f32
    %broadcast_in_dim3A_115 = vector.broadcast %jit3A_114 : f32 to vector<2048x64xf32>
    %select_n3A_116 = arith.select %and3A_98, %exp3A_113, %broadcast_in_dim3A_115 : vector<2048x64xi1>, vector<2048x64xf32>
    %reduce_sum3A_117 = arith.constant dense<0.000000e+00> : vector<2048xf32>
    %reduce_sum3A_118 = vector.multi_reduction <add>, %select_n3A_116, %reduce_sum3A_117 [1] : vector<2048x64xf32> to vector<2048xf32>
    %broadcast_in_dim3A_119 = vector.shape_cast %reduce_sum3A_118 : vector<2048xf32> to vector<2048x1xf32>
    %reduce_sum3A_120 = arith.constant dense<0.000000e+00> : vector<2048xf32>
    %reduce_sum3A_121 = vector.multi_reduction <add>, %exp3A_113, %reduce_sum3A_120 [1] : vector<2048x64xf32> to vector<2048xf32>
    %broadcast_in_dim3A_122 = vector.shape_cast %reduce_sum3A_121 : vector<2048xf32> to vector<2048x1xf32>
    %div3A_123 = arith.divf %broadcast_in_dim3A_119, %broadcast_in_dim3A_122 : vector<2048x1xf32>
    %concatenate3A_124 = tpu.concatenate %div3A_55, %div3A_123 in 1 : vector<2048x1xf32>, vector<2048x1xf32> -> vector<2048x2xf32>
    %swap3A_125 = arith.constant 0 : index
    %swap3A_126 = arith.constant 0 : index
    %swap3A_127 = vector.load %arg3[%swap3A_125, %swap3A_126] : memref<2048x2xf32, #tpu.memory_space<vmem>>, vector<2048x2xf32>
    tpu.vector_store %arg3[%swap3A_125, %swap3A_126], %concatenate3A_124 {strides = array<i32>} : memref<2048x2xf32, #tpu.memory_space<vmem>>, vector<2048x2xf32>,
    %concatenate3A_128 = tpu.concatenate %and3A, %and3A_98 in 0 : vector<2048x64xi1>, vector<2048x64xi1> -> vector<4096x64xi1>
    %convert_element_type3A_129 = arith.extui %concatenate3A_128 : vector<4096x64xi1> to vector<4096x64xi32>
    %broadcast_in_dim3A_130 = arith.constant 0 : i32
    %broadcast_in_dim3A_131 = vector.broadcast %broadcast_in_dim3A_130 : i32 to vector<1x64xi32>
    %slice3A_132 = vector.extract_strided_slice %convert_element_type3A_129 {offsets = [0, 0], sizes = [4095, 64], strides = [1, 1]} : vector<4096x64xi32> to vector<4095x64xi32>
    %concatenate3A_133 = tpu.concatenate %broadcast_in_dim3A_131, %slice3A_132 in 0 : vector<1x64xi32>, vector<4095x64xi32> -> vector<4096x64xi32>
    %add3A_134 = arith.addi %convert_element_type3A_129, %concatenate3A_133 : vector<4096x64xi32>
    %broadcast_in_dim3A_135 = arith.constant 0 : i32
    %broadcast_in_dim3A_136 = vector.broadcast %broadcast_in_dim3A_135 : i32 to vector<2x64xi32>
    %slice3A_137 = vector.extract_strided_slice %add3A_134 {offsets = [0, 0], sizes = [4094, 64], strides = [1, 1]} : vector<4096x64xi32> to vector<4094x64xi32>
    %concatenate3A_138 = tpu.concatenate %broadcast_in_dim3A_136, %slice3A_137 in 0 : vector<2x64xi32>, vector<4094x64xi32> -> vector<4096x64xi32>
    %add3A_139 = arith.addi %add3A_134, %concatenate3A_138 : vector<4096x64xi32>
    %broadcast_in_dim3A_140 = arith.constant 0 : i32
    %broadcast_in_dim3A_141 = vector.broadcast %broadcast_in_dim3A_140 : i32 to vector<4x64xi32>
    %slice3A_142 = vector.extract_strided_slice %add3A_139 {offsets = [0, 0], sizes = [4092, 64], strides = [1, 1]} : vector<4096x64xi32> to vector<4092x64xi32>
    %concatenate3A_143 = tpu.concatenate %broadcast_in_dim3A_141, %slice3A_142 in 0 : vector<4x64xi32>, vector<4092x64xi32> -> vector<4096x64xi32>
    %add3A_144 = arith.addi %add3A_139, %concatenate3A_143 : vector<4096x64xi32>
    %broadcast_in_dim3A_145 = arith.constant 0 : i32
    %broadcast_in_dim3A_146 = vector.broadcast %broadcast_in_dim3A_145 : i32 to vector<8x64xi32>
    %slice3A_147 = vector.extract_strided_slice %add3A_144 {offsets = [0, 0], sizes = [4088, 64], strides = [1, 1]} : vector<4096x64xi32> to vector<4088x64xi32>
    %concatenate3A_148 = tpu.concatenate %broadcast_in_dim3A_146, %slice3A_147 in 0 : vector<8x64xi32>, vector<4088x64xi32> -> vector<4096x64xi32>
    %add3A_149 = arith.addi %add3A_144, %concatenate3A_148 : vector<4096x64xi32>
    %broadcast_in_dim3A_150 = arith.constant 0 : i32
    %broadcast_in_dim3A_151 = vector.broadcast %broadcast_in_dim3A_150 : i32 to vector<16x64xi32>
    %slice3A_152 = vector.extract_strided_slice %add3A_149 {offsets = [0, 0], sizes = [4080, 64], strides = [1, 1]} : vector<4096x64xi32> to vector<4080x64xi32>
    %concatenate3A_153 = tpu.concatenate %broadcast_in_dim3A_151, %slice3A_152 in 0 : vector<16x64xi32>, vector<4080x64xi32> -> vector<4096x64xi32>
    %add3A_154 = arith.addi %add3A_149, %concatenate3A_153 : vector<4096x64xi32>
    %broadcast_in_dim3A_155 = arith.constant 0 : i32
    %broadcast_in_dim3A_156 = vector.broadcast %broadcast_in_dim3A_155 : i32 to vector<32x64xi32>
    %slice3A_157 = vector.extract_strided_slice %add3A_154 {offsets = [0, 0], sizes = [4064, 64], strides = [1, 1]} : vector<4096x64xi32> to vector<4064x64xi32>
    %concatenate3A_158 = tpu.concatenate %broadcast_in_dim3A_156, %slice3A_157 in 0 : vector<32x64xi32>, vector<4064x64xi32> -> vector<4096x64xi32>
    %add3A_159 = arith.addi %add3A_154, %concatenate3A_158 : vector<4096x64xi32>
    %broadcast_in_dim3A_160 = arith.constant 0 : i32
    %broadcast_in_dim3A_161 = vector.broadcast %broadcast_in_dim3A_160 : i32 to vector<64x64xi32>
    %slice3A_162 = vector.extract_strided_slice %add3A_159 {offsets = [0, 0], sizes = [4032, 64], strides = [1, 1]} : vector<4096x64xi32> to vector<4032x64xi32>
    %concatenate3A_163 = tpu.concatenate %broadcast_in_dim3A_161, %slice3A_162 in 0 : vector<64x64xi32>, vector<4032x64xi32> -> vector<4096x64xi32>
    %add3A_164 = arith.addi %add3A_159, %concatenate3A_163 : vector<4096x64xi32>
    %broadcast_in_dim3A_165 = arith.constant 0 : i32
    %broadcast_in_dim3A_166 = vector.broadcast %broadcast_in_dim3A_165 : i32 to vector<128x64xi32>
    %slice3A_167 = vector.extract_strided_slice %add3A_164 {offsets = [0, 0], sizes = [3968, 64], strides = [1, 1]} : vector<4096x64xi32> to vector<3968x64xi32>
    %concatenate3A_168 = tpu.concatenate %broadcast_in_dim3A_166, %slice3A_167 in 0 : vector<128x64xi32>, vector<3968x64xi32> -> vector<4096x64xi32>
    %add3A_169 = arith.addi %add3A_164, %concatenate3A_168 : vector<4096x64xi32>
    %broadcast_in_dim3A_170 = arith.constant 0 : i32
    %broadcast_in_dim3A_171 = vector.broadcast %broadcast_in_dim3A_170 : i32 to vector<256x64xi32>
    %slice3A_172 = vector.extract_strided_slice %add3A_169 {offsets = [0, 0], sizes = [3840, 64], strides = [1, 1]} : vector<4096x64xi32> to vector<3840x64xi32>
    %concatenate3A_173 = tpu.concatenate %broadcast_in_dim3A_171, %slice3A_172 in 0 : vector<256x64xi32>, vector<3840x64xi32> -> vector<4096x64xi32>
    %add3A_174 = arith.addi %add3A_169, %concatenate3A_173 : vector<4096x64xi32>
    %broadcast_in_dim3A_175 = arith.constant 0 : i32
    %broadcast_in_dim3A_176 = vector.broadcast %broadcast_in_dim3A_175 : i32 to vector<512x64xi32>
    %slice3A_177 = vector.extract_strided_slice %add3A_174 {offsets = [0, 0], sizes = [3584, 64], strides = [1, 1]} : vector<4096x64xi32> to vector<3584x64xi32>
    %concatenate3A_178 = tpu.concatenate %broadcast_in_dim3A_176, %slice3A_177 in 0 : vector<512x64xi32>, vector<3584x64xi32> -> vector<4096x64xi32>
    %add3A_179 = arith.addi %add3A_174, %concatenate3A_178 : vector<4096x64xi32>
    %broadcast_in_dim3A_180 = arith.constant 0 : i32
    %broadcast_in_dim3A_181 = vector.broadcast %broadcast_in_dim3A_180 : i32 to vector<1024x64xi32>
    %slice3A_182 = vector.extract_strided_slice %add3A_179 {offsets = [0, 0], sizes = [3072, 64], strides = [1, 1]} : vector<4096x64xi32> to vector<3072x64xi32>
    %concatenate3A_183 = tpu.concatenate %broadcast_in_dim3A_181, %slice3A_182 in 0 : vector<1024x64xi32>, vector<3072x64xi32> -> vector<4096x64xi32>
    %add3A_184 = arith.addi %add3A_179, %concatenate3A_183 : vector<4096x64xi32>
    %broadcast_in_dim3A_185 = arith.constant 0 : i32
    %broadcast_in_dim3A_186 = vector.broadcast %broadcast_in_dim3A_185 : i32 to vector<2048x64xi32>
    %slice3A_187 = vector.extract_strided_slice %add3A_184 {offsets = [0, 0], sizes = [2048, 64], strides = [1, 1]} : vector<4096x64xi32> to vector<2048x64xi32>
    %concatenate3A_188 = tpu.concatenate %broadcast_in_dim3A_186, %slice3A_187 in 0 : vector<2048x64xi32>, vector<2048x64xi32> -> vector<4096x64xi32>
    %add3A_189 = arith.addi %add3A_184, %concatenate3A_188 : vector<4096x64xi32>
    %slice3A_190 = vector.extract_strided_slice %add3A_189 {offsets = [4095, 0], sizes = [1, 64], strides = [1, 1]} : vector<4096x64xi32> to vector<1x64xi32>
    %add3A_191 = arith.constant 7 : i32
    %add3A_192 = vector.broadcast %add3A_191 : i32 to vector<1x64xi32>
    %add3A_193 = arith.addi %slice3A_190, %add3A_192 : vector<1x64xi32>
    %jit3A_194 = arith.constant 8 : i32
    %div3A_195 = vector.broadcast %jit3A_194 : i32 to vector<1x64xi32>
    %div3A_196 = arith.divsi %add3A_193, %div3A_195 : vector<1x64xi32>
    %sign3A = arith.constant 0 : i32
    %sign3A_197 = vector.broadcast %sign3A : i32 to vector<1x64xi32>
    %sign3A_198 = arith.cmpi sgt, %add3A_193, %sign3A_197 : vector<1x64xi32>
    %sign3A_199 = arith.extui %sign3A_198 : vector<1x64xi1> to vector<1x64xi32>
    %sign3A_200 = arith.constant 0 : i32
    %sign3A_201 = vector.broadcast %sign3A_200 : i32 to vector<1x64xi32>
    %sign3A_202 = arith.cmpi slt, %add3A_193, %sign3A_201 : vector<1x64xi32>
    %sign3A_203 = arith.extui %sign3A_202 : vector<1x64xi1> to vector<1x64xi32>
    %sign3A_204 = arith.subi %sign3A_199, %sign3A_203 : vector<1x64xi32>
    %sign3A_205 = arith.constant 0 : i32
    %sign3A_206 = arith.cmpi sgt, %jit3A_194, %sign3A_205 : i32
    %sign3A_207 = arith.extui %sign3A_206 : i1 to i32
    %sign3A_208 = arith.constant 0 : i32
    %sign3A_209 = arith.cmpi slt, %jit3A_194, %sign3A_208 : i32
    %sign3A_210 = arith.extui %sign3A_209 : i1 to i32
    %sign3A_211 = arith.subi %sign3A_207, %sign3A_210 : i32
    %ne3A = vector.broadcast %sign3A_211 : i32 to vector<1x64xi32>
    %ne3A_212 = arith.cmpi ne, %sign3A_204, %ne3A : vector<1x64xi32>
    %rem3A = vector.broadcast %jit3A_194 : i32 to vector<1x64xi32>
    %rem3A_213 = arith.remsi %add3A_193, %rem3A : vector<1x64xi32>
    %ne3A_214 = arith.constant 0 : i32
    %ne3A_215 = vector.broadcast %ne3A_214 : i32 to vector<1x64xi32>
    %ne3A_216 = arith.cmpi ne, %rem3A_213, %ne3A_215 : vector<1x64xi32>
    %and3A_217 = arith.andi %ne3A_212, %ne3A_216 : vector<1x64xi1>
    %sub3A_218 = arith.constant 1 : i32
    %sub3A_219 = vector.broadcast %sub3A_218 : i32 to vector<1x64xi32>
    %sub3A_220 = arith.subi %div3A_196, %sub3A_219 : vector<1x64xi32>
    %select_n3A_221 = arith.select %and3A_217, %sub3A_220, %div3A_196 : vector<1x64xi1>, vector<1x64xi32>
    %mul3A = arith.constant 8 : i32
    %mul3A_222 = vector.broadcast %mul3A : i32 to vector<1x64xi32>
    %mul3A_223 = arith.muli %select_n3A_221, %mul3A_222 : vector<1x64xi32>
    %broadcast_in_dim3A_224 = arith.constant 0 : i32
    %broadcast_in_dim3A_225 = vector.broadcast %broadcast_in_dim3A_224 : i32 to vector<1x1xi32>
    %slice3A_226 = vector.extract_strided_slice %mul3A_223 {offsets = [0, 0], sizes = [1, 63], strides = [1, 1]} : vector<1x64xi32> to vector<1x63xi32>
    %concatenate3A_227 = tpu.concatenate %broadcast_in_dim3A_225, %slice3A_226 in 1 : vector<1x1xi32>, vector<1x63xi32> -> vector<1x64xi32>
    %add3A_228 = arith.addi %mul3A_223, %concatenate3A_227 : vector<1x64xi32>
    %broadcast_in_dim3A_229 = arith.constant 0 : i32
    %broadcast_in_dim3A_230 = vector.broadcast %broadcast_in_dim3A_229 : i32 to vector<1x2xi32>
    %slice3A_231 = vector.extract_strided_slice %add3A_228 {offsets = [0, 0], sizes = [1, 62], strides = [1, 1]} : vector<1x64xi32> to vector<1x62xi32>
    %concatenate3A_232 = tpu.concatenate %broadcast_in_dim3A_230, %slice3A_231 in 1 : vector<1x2xi32>, vector<1x62xi32> -> vector<1x64xi32>
    %add3A_233 = arith.addi %add3A_228, %concatenate3A_232 : vector<1x64xi32>
    %broadcast_in_dim3A_234 = arith.constant 0 : i32
    %broadcast_in_dim3A_235 = vector.broadcast %broadcast_in_dim3A_234 : i32 to vector<1x4xi32>
    %slice3A_236 = vector.extract_strided_slice %add3A_233 {offsets = [0, 0], sizes = [1, 60], strides = [1, 1]} : vector<1x64xi32> to vector<1x60xi32>
    %concatenate3A_237 = tpu.concatenate %broadcast_in_dim3A_235, %slice3A_236 in 1 : vector<1x4xi32>, vector<1x60xi32> -> vector<1x64xi32>
    %add3A_238 = arith.addi %add3A_233, %concatenate3A_237 : vector<1x64xi32>
    %broadcast_in_dim3A_239 = arith.constant 0 : i32
    %broadcast_in_dim3A_240 = vector.broadcast %broadcast_in_dim3A_239 : i32 to vector<1x8xi32>
    %slice3A_241 = vector.extract_strided_slice %add3A_238 {offsets = [0, 0], sizes = [1, 56], strides = [1, 1]} : vector<1x64xi32> to vector<1x56xi32>
    %concatenate3A_242 = tpu.concatenate %broadcast_in_dim3A_240, %slice3A_241 in 1 : vector<1x8xi32>, vector<1x56xi32> -> vector<1x64xi32>
    %add3A_243 = arith.addi %add3A_238, %concatenate3A_242 : vector<1x64xi32>
    %broadcast_in_dim3A_244 = arith.constant 0 : i32
    %broadcast_in_dim3A_245 = vector.broadcast %broadcast_in_dim3A_244 : i32 to vector<1x16xi32>
    %slice3A_246 = vector.extract_strided_slice %add3A_243 {offsets = [0, 0], sizes = [1, 48], strides = [1, 1]} : vector<1x64xi32> to vector<1x48xi32>
    %concatenate3A_247 = tpu.concatenate %broadcast_in_dim3A_245, %slice3A_246 in 1 : vector<1x16xi32>, vector<1x48xi32> -> vector<1x64xi32>
    %add3A_248 = arith.addi %add3A_243, %concatenate3A_247 : vector<1x64xi32>
    %broadcast_in_dim3A_249 = arith.constant 0 : i32
    %broadcast_in_dim3A_250 = vector.broadcast %broadcast_in_dim3A_249 : i32 to vector<1x32xi32>
    %slice3A_251 = vector.extract_strided_slice %add3A_248 {offsets = [0, 0], sizes = [1, 32], strides = [1, 1]} : vector<1x64xi32> to vector<1x32xi32>
    %concatenate3A_252 = tpu.concatenate %broadcast_in_dim3A_250, %slice3A_251 in 1 : vector<1x32xi32>, vector<1x32xi32> -> vector<1x64xi32>
    %add3A_253 = arith.addi %add3A_248, %concatenate3A_252 : vector<1x64xi32>
    %sub3A_254 = arith.subi %add3A_253, %mul3A_223 : vector<1x64xi32>
    %sub3A_255 = arith.constant 1 : i32
    %sub3A_256 = vector.broadcast %sub3A_255 : i32 to vector<4096x64xi32>
    %sub3A_257 = arith.subi %add3A_189, %sub3A_256 : vector<4096x64xi32>
    %add3A_258 = vector.broadcast %sub3A_254 : vector<1x64xi32> to vector<4096x64xi32>
    %add3A_259 = arith.addi %sub3A_257, %add3A_258 : vector<4096x64xi32>
    %mul3A_260 = arith.muli %add3A_259, %convert_element_type3A_129 : vector<4096x64xi32>
    %reduce_sum3A_261 = arith.constant dense<0> : vector<4096xi32>
    %reduce_sum3A_262 = vector.multi_reduction <add>, %mul3A_260, %reduce_sum3A_261 [1] : vector<4096x64xi32> to vector<4096xi32>
    %broadcast_in_dim3A_263 = vector.shape_cast %reduce_sum3A_262 : vector<4096xi32> to vector<4096x1xi32>
    %swap3A_264 = arith.constant 0 : index
    %swap3A_265 = arith.constant 0 : index
    %swap3A_266 = vector.load %arg4[%swap3A_264, %swap3A_265] : memref<4096x1xi32, #tpu.memory_space<vmem>>, vector<4096x1xi32>
    tpu.vector_store %arg4[%swap3A_264, %swap3A_265], %broadcast_in_dim3A_263 {strides = array<i32>} : memref<4096x1xi32, #tpu.memory_space<vmem>>, vector<4096x1xi32>,
    %broadcast_in_dim3A_267 = arith.constant 0 : i32
    %broadcast_in_dim3A_268 = vector.broadcast %broadcast_in_dim3A_267 : i32 to vector<1x1xi32>
    %broadcast_in_dim3A_269 = arith.constant 0 : i32
    %broadcast_in_dim3A_270 = vector.broadcast %broadcast_in_dim3A_269 : i32 to vector<1x63xi32>
    %concatenate3A_271 = tpu.concatenate %broadcast_in_dim3A_268, %add3A_253, %broadcast_in_dim3A_270 in 1 : vector<1x1xi32>, vector<1x64xi32>, vector<1x63xi32> -> vector<1x128xi32>
    %swap3A_272 = arith.constant 0 : index
    %swap3A_273 = arith.constant 0 : index
    %swap3A_274 = vector.load %arg5[%swap3A_272, %swap3A_273] : memref<1x128xi32, #tpu.memory_space<vmem>>, vector<1x128xi32>
    tpu.vector_store %arg5[%swap3A_272, %swap3A_273], %concatenate3A_271 {strides = array<i32>} : memref<1x128xi32, #tpu.memory_space<vmem>>, vector<1x128xi32>,
    return
  }
}

module attributes {stable_mosaic.version = 14 : i64} {
  func.func @_moe_body(%arg0: i32, %arg1: memref<65xi32, #tpu.memory_space<smem>>, %arg2: memref<2048x768xf32, #tpu.memory_space<vmem>>, %arg3: memref<2x2048xi32, #tpu.memory_space<vmem>>, %arg4: memref<1x1024x768xf32, #tpu.memory_space<vmem>>, %arg5: memref<1x1024x768xf32, #tpu.memory_space<vmem>>, %arg6: memref<1x768x1024xf32, #tpu.memory_space<vmem>>, %arg7: memref<4728x768xf32, #tpu.memory_space<vmem>>) attributes {dimension_semantics = [#tpu.dimension_semantics<arbitrary>], iteration_bounds = array<i64: 64>, scalar_prefetch = 1 : i64, scratch_operands = 0 : i64, tpu.core_type = #tpu.core_type<tc>, window_params = [{pipeline_mode = #tpu.pipeline_mode<synchronous>, transform_indices = @transform_0, window_bounds = array<i64: 2048, 768>}, {pipeline_mode = #tpu.pipeline_mode<synchronous>, transform_indices = @transform_1, window_bounds = array<i64: 2, 2048>}, {transform_indices = @transform_2, window_bounds = array<i64: 1, 1024, 768>}, {transform_indices = @transform_3, window_bounds = array<i64: 1, 1024, 768>}, {transform_indices = @transform_4, window_bounds = array<i64: 1, 768, 1024>}, {pipeline_mode = #tpu.pipeline_mode<synchronous>, transform_indices = @transform_5, window_bounds = array<i64: 4728, 768>}]} {
    %get3A = arith.index_cast %arg0 : i32 to index
    %get3A_0 = memref.load %arg1[%get3A] : memref<65xi32, #tpu.memory_space<smem>>
    %add3A = arith.constant 1 : i32
    %add3A_1 = arith.addi %arg0, %add3A : i32
    %get3A_2 = arith.index_cast %add3A_1 : i32 to index
    %get3A_3 = memref.load %arg1[%get3A_2] : memref<65xi32, #tpu.memory_space<smem>>
    %sub3A = arith.subi %get3A_3, %get3A_0 : i32
    %add3A_4 = arith.constant 127 : i32
    %add3A_5 = arith.addi %sub3A, %add3A_4 : i32
    %div3A = arith.constant 128 : i32
    %div3A_6 = arith.divsi %add3A_5, %div3A : i32
    %get3A_7 = arith.constant 0 : index
    %get3A_8 = arith.constant 0 : index
    %get3A_9 = vector.load %arg3[%get3A_7, %get3A_8] : memref<2x2048xi32, #tpu.memory_space<vmem>>, vector<1x2048xi32>
    %get3A_10 = arith.constant 1 : index
    %get3A_11 = arith.constant 0 : index
    %get3A_12 = vector.load %arg3[%get3A_10, %get3A_11] : memref<2x2048xi32, #tpu.memory_space<vmem>>, vector<1x2048xi32>
    %get3A_13 = arith.constant 0 : index
    %get3A_14 = arith.constant 0 : index
    %get3A_15 = vector.load %arg2[%get3A_13, %get3A_14] : memref<2048x768xf32, #tpu.memory_space<vmem>>, vector<2048x768xf32>
    %get3A_16 = arith.constant 0 : index
    %get3A_17 = arith.constant 0 : index
    %get3A_18 = arith.constant 0 : index
    %get3A_19 = vector.load %arg4[%get3A_16, %get3A_17, %get3A_18] : memref<1x1024x768xf32, #tpu.memory_space<vmem>>, vector<1x1024x768xf32>
    %get3A_20 = vector.shape_cast %get3A_19 : vector<1x1024x768xf32> to vector<1024x768xf32>
    %get3A_21 = arith.constant 0 : index
    %get3A_22 = arith.constant 0 : index
    %get3A_23 = arith.constant 0 : index
    %get3A_24 = vector.load %arg5[%get3A_21, %get3A_22, %get3A_23] : memref<1x1024x768xf32, #tpu.memory_space<vmem>>, vector<1x1024x768xf32>
    %get3A_25 = vector.shape_cast %get3A_24 : vector<1x1024x768xf32> to vector<1024x768xf32>
    %get3A_26 = arith.constant 0 : index
    %get3A_27 = arith.constant 0 : index
    %get3A_28 = arith.constant 0 : index
    %get3A_29 = vector.load %arg6[%get3A_26, %get3A_27, %get3A_28] : memref<1x768x1024xf32, #tpu.memory_space<vmem>>, vector<1x768x1024xf32>
    %get3A_30 = vector.shape_cast %get3A_29 : vector<1x768x1024xf32> to vector<768x1024xf32>
    %while3A = arith.constant 0 : i32
    %while3A_31 = arith.constant 0 : i32
    %while3A_32 = arith.subi %div3A_6, %while3A_31 : i32
    %while3A_33 = arith.addi %while3A_31, %while3A_32 : i32
    %while3A_34 = arith.constant 1 : i32
    %while3A_35 = arith.divsi %while3A_32, %while3A_34 : i32
    %while3A_36 = arith.muli %while3A_35, %while3A_34 : i32
    %while3A_37 = arith.addi %while3A_31, %while3A_36 : i32
    %while3A_38 = arith.constant 1 : i32
    scf.for %while3A_40 = %while3A_31 to %while3A_37 step %while3A_38  : i32 {
      %mul3A = arith.constant 128 : i32
      %mul3A_41 = arith.muli %while3A_40, %mul3A : i32
      %add3A_42 = arith.addi %get3A_0, %mul3A_41 : i32
      %multiple_of3A = tpu.assume_multiple %add3A_42, 8 : i32
      %iota3A = tpu.iota {dimensions = array<i32: 0>} : vector<128x1xi32>
      %add3A_43 = vector.broadcast %multiple_of3A : i32 to vector<128x1xi32>
      %add3A_44 = arith.addi %add3A_43, %iota3A : vector<128x1xi32>
      %eq3A = vector.broadcast %get3A_9 : vector<1x2048xi32> to vector<128x2048xi32>
      %eq3A_45 = vector.broadcast %add3A_44 : vector<128x1xi32> to vector<128x2048xi32>
      %eq3A_46 = arith.cmpi eq, %eq3A, %eq3A_45 : vector<128x2048xi32>
      %convert_element_type3A = arith.extui %eq3A_46 : vector<128x2048xi1> to vector<128x2048xi32>
      %convert_element_type3A_47 = arith.sitofp %convert_element_type3A : vector<128x2048xi32> to vector<128x2048xf32>
      %eq3A_48 = vector.broadcast %get3A_12 : vector<1x2048xi32> to vector<128x2048xi32>
      %eq3A_49 = vector.broadcast %add3A_44 : vector<128x1xi32> to vector<128x2048xi32>
      %eq3A_50 = arith.cmpi eq, %eq3A_48, %eq3A_49 : vector<128x2048xi32>
      %convert_element_type3A_51 = arith.extui %eq3A_50 : vector<128x2048xi1> to vector<128x2048xi32>
      %convert_element_type3A_52 = arith.sitofp %convert_element_type3A_51 : vector<128x2048xi32> to vector<128x2048xf32>
      %add3A_53 = arith.addf %convert_element_type3A_47, %convert_element_type3A_52 : vector<128x2048xf32>
      %dot_general3A = arith.constant dense<0.000000e+00> : vector<128x768xf32>
      %dot_general3A_54 = tpu.matmul %add3A_53, %get3A_15, %dot_general3A {dimension_numbers = #tpu.dot_dimension_numbers<[1], [0], [0], [1], [0, 0, 1, 1], [], []>, transpose_lhs_hint = false} : vector<128x2048xf32>, vector<2048x768xf32>, vector<128x768xf32> -> vector<128x768xf32>
      %dot_general3A_55 = arith.constant dense<0.000000e+00> : vector<128x1024xf32>
      %dot_general3A_56 = tpu.matmul %dot_general3A_54, %get3A_20, %dot_general3A_55 {dimension_numbers = #tpu.dot_dimension_numbers<[1], [1], [0], [0], [0, 0, 1, 0], [], []>, transpose_lhs_hint = false} : vector<128x768xf32>, vector<1024x768xf32>, vector<128x1024xf32> -> vector<128x1024xf32>
      %dot_general3A_57 = arith.constant dense<0.000000e+00> : vector<128x1024xf32>
      %dot_general3A_58 = tpu.matmul %dot_general3A_54, %get3A_25, %dot_general3A_57 {dimension_numbers = #tpu.dot_dimension_numbers<[1], [1], [0], [0], [0, 0, 1, 0], [], []>, transpose_lhs_hint = false} : vector<128x768xf32>, vector<1024x768xf32>, vector<128x1024xf32> -> vector<128x1024xf32>
      %logistic3A = arith.negf %dot_general3A_56 : vector<128x1024xf32>
      %logistic3A_59 = math.exp %logistic3A : vector<128x1024xf32>
      %logistic3A_60 = arith.constant 1.000000e+00 : f32
      %logistic3A_61 = vector.broadcast %logistic3A_60 : f32 to vector<128x1024xf32>
      %logistic3A_62 = arith.addf %logistic3A_61, %logistic3A_59 : vector<128x1024xf32>
      %logistic3A_63 = arith.divf %logistic3A_61, %logistic3A_62 : vector<128x1024xf32>
      %mul3A_64 = arith.mulf %dot_general3A_56, %logistic3A_63 : vector<128x1024xf32>
      %mul3A_65 = arith.mulf %mul3A_64, %dot_general3A_58 : vector<128x1024xf32>
      %dot_general3A_66 = arith.constant dense<0.000000e+00> : vector<128x768xf32>
      %dot_general3A_67 = tpu.matmul %mul3A_65, %get3A_30, %dot_general3A_66 {dimension_numbers = #tpu.dot_dimension_numbers<[1], [1], [0], [0], [0, 0, 1, 0], [], []>, transpose_lhs_hint = false} : vector<128x1024xf32>, vector<768x1024xf32>, vector<128x768xf32> -> vector<128x768xf32>
      %swap3A = arith.index_cast %multiple_of3A : i32 to index
      %swap3A_68 = arith.constant 0 : index
      %swap3A_69 = vector.load %arg7[%swap3A, %swap3A_68] : memref<4728x768xf32, #tpu.memory_space<vmem>>, vector<128x768xf32>
      tpu.vector_store %arg7[%swap3A, %swap3A_68], %dot_general3A_67 {strides = array<i32>} : memref<4728x768xf32, #tpu.memory_space<vmem>>, vector<128x768xf32>,
    }
    %while3A_39 = arith.constant 1 : i32
    scf.for %while3A_40 = %while3A_37 to %while3A_33 step %while3A_39  : i32 {
      %mul3A = arith.constant 128 : i32
      %mul3A_41 = arith.muli %while3A_40, %mul3A : i32
      %add3A_42 = arith.addi %get3A_0, %mul3A_41 : i32
      %multiple_of3A = tpu.assume_multiple %add3A_42, 8 : i32
      %iota3A = tpu.iota {dimensions = array<i32: 0>} : vector<128x1xi32>
      %add3A_43 = vector.broadcast %multiple_of3A : i32 to vector<128x1xi32>
      %add3A_44 = arith.addi %add3A_43, %iota3A : vector<128x1xi32>
      %eq3A = vector.broadcast %get3A_9 : vector<1x2048xi32> to vector<128x2048xi32>
      %eq3A_45 = vector.broadcast %add3A_44 : vector<128x1xi32> to vector<128x2048xi32>
      %eq3A_46 = arith.cmpi eq, %eq3A, %eq3A_45 : vector<128x2048xi32>
      %convert_element_type3A = arith.extui %eq3A_46 : vector<128x2048xi1> to vector<128x2048xi32>
      %convert_element_type3A_47 = arith.sitofp %convert_element_type3A : vector<128x2048xi32> to vector<128x2048xf32>
      %eq3A_48 = vector.broadcast %get3A_12 : vector<1x2048xi32> to vector<128x2048xi32>
      %eq3A_49 = vector.broadcast %add3A_44 : vector<128x1xi32> to vector<128x2048xi32>
      %eq3A_50 = arith.cmpi eq, %eq3A_48, %eq3A_49 : vector<128x2048xi32>
      %convert_element_type3A_51 = arith.extui %eq3A_50 : vector<128x2048xi1> to vector<128x2048xi32>
      %convert_element_type3A_52 = arith.sitofp %convert_element_type3A_51 : vector<128x2048xi32> to vector<128x2048xf32>
      %add3A_53 = arith.addf %convert_element_type3A_47, %convert_element_type3A_52 : vector<128x2048xf32>
      %dot_general3A = arith.constant dense<0.000000e+00> : vector<128x768xf32>
      %dot_general3A_54 = tpu.matmul %add3A_53, %get3A_15, %dot_general3A {dimension_numbers = #tpu.dot_dimension_numbers<[1], [0], [0], [1], [0, 0, 1, 1], [], []>, transpose_lhs_hint = false} : vector<128x2048xf32>, vector<2048x768xf32>, vector<128x768xf32> -> vector<128x768xf32>
      %dot_general3A_55 = arith.constant dense<0.000000e+00> : vector<128x1024xf32>
      %dot_general3A_56 = tpu.matmul %dot_general3A_54, %get3A_20, %dot_general3A_55 {dimension_numbers = #tpu.dot_dimension_numbers<[1], [1], [0], [0], [0, 0, 1, 0], [], []>, transpose_lhs_hint = false} : vector<128x768xf32>, vector<1024x768xf32>, vector<128x1024xf32> -> vector<128x1024xf32>
      %dot_general3A_57 = arith.constant dense<0.000000e+00> : vector<128x1024xf32>
      %dot_general3A_58 = tpu.matmul %dot_general3A_54, %get3A_25, %dot_general3A_57 {dimension_numbers = #tpu.dot_dimension_numbers<[1], [1], [0], [0], [0, 0, 1, 0], [], []>, transpose_lhs_hint = false} : vector<128x768xf32>, vector<1024x768xf32>, vector<128x1024xf32> -> vector<128x1024xf32>
      %logistic3A = arith.negf %dot_general3A_56 : vector<128x1024xf32>
      %logistic3A_59 = math.exp %logistic3A : vector<128x1024xf32>
      %logistic3A_60 = arith.constant 1.000000e+00 : f32
      %logistic3A_61 = vector.broadcast %logistic3A_60 : f32 to vector<128x1024xf32>
      %logistic3A_62 = arith.addf %logistic3A_61, %logistic3A_59 : vector<128x1024xf32>
      %logistic3A_63 = arith.divf %logistic3A_61, %logistic3A_62 : vector<128x1024xf32>
      %mul3A_64 = arith.mulf %dot_general3A_56, %logistic3A_63 : vector<128x1024xf32>
      %mul3A_65 = arith.mulf %mul3A_64, %dot_general3A_58 : vector<128x1024xf32>
      %dot_general3A_66 = arith.constant dense<0.000000e+00> : vector<128x768xf32>
      %dot_general3A_67 = tpu.matmul %mul3A_65, %get3A_30, %dot_general3A_66 {dimension_numbers = #tpu.dot_dimension_numbers<[1], [1], [0], [0], [0, 0, 1, 0], [], []>, transpose_lhs_hint = false} : vector<128x1024xf32>, vector<768x1024xf32>, vector<128x768xf32> -> vector<128x768xf32>
      %swap3A = arith.index_cast %multiple_of3A : i32 to index
      %swap3A_68 = arith.constant 0 : index
      %swap3A_69 = vector.load %arg7[%swap3A, %swap3A_68] : memref<4728x768xf32, #tpu.memory_space<vmem>>, vector<128x768xf32>
      tpu.vector_store %arg7[%swap3A, %swap3A_68], %dot_general3A_67 {strides = array<i32>} : memref<4728x768xf32, #tpu.memory_space<vmem>>, vector<128x768xf32>,
    }
    return
  }
  func.func @transform_0(%arg0: i32, %arg1: memref<65xi32, #tpu.memory_space<smem>>) -> (i32, i32) {
    %c0_i32 = arith.constant 0 : i32
    %c0_i32_0 = arith.constant 0 : i32
    %c0_i32_1 = arith.constant 0 : i32
    return %c0_i32, %c0_i32_0 : i32, i32
  }
  func.func @transform_1(%arg0: i32, %arg1: memref<65xi32, #tpu.memory_space<smem>>) -> (i32, i32) {
    %c0_i32 = arith.constant 0 : i32
    %c0_i32_0 = arith.constant 0 : i32
    %c0_i32_1 = arith.constant 0 : i32
    return %c0_i32, %c0_i32_0 : i32, i32
  }
  func.func @transform_2(%arg0: i32, %arg1: memref<65xi32, #tpu.memory_space<smem>>) -> (i32, i32, i32) {
    %c0_i32 = arith.constant 0 : i32
    %c0_i32_0 = arith.constant 0 : i32
    %c0_i32_1 = arith.constant 0 : i32
    return %arg0, %c0_i32, %c0_i32_0 : i32, i32, i32
  }
  func.func @transform_3(%arg0: i32, %arg1: memref<65xi32, #tpu.memory_space<smem>>) -> (i32, i32, i32) {
    %c0_i32 = arith.constant 0 : i32
    %c0_i32_0 = arith.constant 0 : i32
    %c0_i32_1 = arith.constant 0 : i32
    return %arg0, %c0_i32, %c0_i32_0 : i32, i32, i32
  }
  func.func @transform_4(%arg0: i32, %arg1: memref<65xi32, #tpu.memory_space<smem>>) -> (i32, i32, i32) {
    %c0_i32 = arith.constant 0 : i32
    %c0_i32_0 = arith.constant 0 : i32
    %c0_i32_1 = arith.constant 0 : i32
    return %arg0, %c0_i32, %c0_i32_0 : i32, i32, i32
  }
  func.func @transform_5(%arg0: i32, %arg1: memref<65xi32, #tpu.memory_space<smem>>) -> (i32, i32) {
    %c0_i32 = arith.constant 0 : i32
    %c0_i32_0 = arith.constant 0 : i32
    %c0_i32_1 = arith.constant 0 : i32
    return %c0_i32, %c0_i32_0 : i32, i32
  }
}

</mosaic_0001>

<sc_bundles>
// kernel: kernel.5.cloned.1.call-start
scs
__scs_entry_jumppad:
0x0: {  	(pc) =	sbr.rel $0x88, $3  }
0x1: {  	(tag) =	ssettag $0x0;
	lr =	simm.s32 $0x1  }
0x2: {  	[smem:$0x3F9C] =	sst lr;
	_ =	strace $0xD0000000  }
0x3: {  	_ = 	snop  }
0x4: {  	_ = 	snop  }
0x5: {  	_ = 	snop  }
0x6: {  	_ = 	snop  }
0x7: {  	_ = 	snop  }
__scs_overlays_trampoline_lowered:
0x8: {  	[smem:$0x3FAB] =	sst s0  }
0x9: {  	[smem:$0x3FAC] =	sst s1  }
0xa: {  	[smem:$0x3FAD] =	sst s2  }
0xb: {  	[smem:$0x3FAE] =	sst s3  }
0xc: {  	[smem:$0x3FAF] =	sst s4  }
0xd: {  	[smem:$0x3FB0] =	sst s5  }
0xe: {  	[smem:$0x3FB1] =	sst s6  }
0xf: {  	[smem:$0x3FB2] =	sst s7  }
0x10: {  	[smem:$0x3FB3] =	sst s8  }
0x11: {  	[smem:$0x3FB4] =	sst s9;
	s0 =	simm.s32 @!p0 $0x0  }
0x12: {  	s1 =	sld [smem:$0x3F9A];
	s0 =	simm.s32 @p0 $0x1  }
0x13: {  	[smem:$0x3FB5] =	sst s0;
	s0 =	simm.s32 @!p1 $0x0  }
0x14: {  	s2 =	sld [smem:$0x3F99];
	s0 =	simm.s32 @p1 $0x1  }
0x15: {  	[smem:$0x3FB6] =	sst s0;
	s0 =	simm.s32 @!p2 $0x0  }
0x16: {  	s3 =	sld [smem:$0x3FDB];
	s0 =	simm.s32 @p2 $0x1  }
0x17: {  	s4 =	simm.s32 $0x1BF5;
	[smem:$0x3FB8] =	sst s0  }
0x18: {  	s0 =	sld [smem:$0x3F9B];
	_ =	swait.ge [sflag:s4], $0x0  }
0x19: {  	s7 =	sld [smem:$0x3F9C]  }
0x1a: {  	s8 =	sadd.s32 $0xFFFFE003, lr  }
0x1b: {  	s9 =	sadd.s32 $0xFFFFFEF7, lr;
	s5 =	simm.s32 $0xFFFFFFFF;
	p2 =	slt.u32 s8, $0xFFFFF086  }
0x1c: {  	p1 =	slt.u32 s9, $0xF7A;
	s5 =	simm.s32 @!p2 $0x0  }
0x1d: {  	s5 =	simm.s32 @p1 $0x1;
	p0 =	seq.s32 s7, s2  }
0x1e: {  	s7 =	smul.u32 @!p0 $0xF7A, s2;
	p2 =	seq.s32 @!p0 s5, $0x0  }
0x1f: {  	s9 =	smul.u32 $0xF7A, s1;
	s8 =	simm.s32 @!p0 $0x1BF5;
	p2 =	por !p2, p0  }
0x20: {  	[sflag:s8] =	ssyncset.s32 @!p0 $0xFFFFF086;
	s6 =	sadd.s32 @!p0 s3, s7;
	s7 =	simm.s32 @!p0 $0x108  }
0x21: {  	s3 =	sadd.s32 s3, s9;
	s6 =	sadd.s32 @!p0 $0x88, s6;
	s7 =	simm.s32 @p2 $0x1082  }
0x22: {  	[simem:s7], [sflag:s8] =	dma.local @!p0 [hbm:s6], $0xF7A  }
0x23: {  	s9 =	sor.u32 $0xD0000000, s2;
	s6 =	simm.s32 $0x108;
	_ =	swait.ge @!p0 [sflag:s8], $0x0  }
0x24: {  	s3 =	sadd.s32 $0x88, s3;
	s6 =	simm.s32 @!p1 $0x1082;
	[sflag:s4] =	ssyncset.s32 $0xFFFFF086  }
0x25: {  	[simem:s6], [sflag:s4] =	dma.local [hbm:s3], $0xF7A  }
0x26: {  	[smem:$0x3F9C] =	sst s1;
	(tag) =	ssettag s2;
	_ =	strace s9  }
0x27: {  	s1 =	sld [smem:$0x3FAC]  }
0x28: {  	s2 =	sld [smem:$0x3FAD]  }
0x29: {  	s4 =	sld [smem:$0x3FAF]  }
0x2a: {  	p0 =	seq.s32 s5, $0x0;
	s5 =	sld [smem:$0x3FB0]  }
0x2b: {  	s6 =	sld [smem:$0x3FB1]  }
0x2c: {  	s7 =	sld [smem:$0x3FB2]  }
0x2d: {  	s3 =	simm.s32 $0x108;
	s8 =	sld [smem:$0x3FB3]  }
0x2e: {  	s3 =	simm.s32 @!p0 $0x1082;
	s9 =	sld [smem:$0x3FB4]  }
0x2f: {  	lr =	sadd.s32 s0, s3;
	s0 =	sld [smem:$0x3FAB]  }
0x30: {  	s3 =	sld [smem:$0x3FAE]  }
0x31: {  	[smem:$0x3FB7] =	sst s10  }
0x32: {  	s10 =	sld [smem:$0x3FB5];
	_ =	sdelay $0x3  }
0x33: {  	p0 =	seq.s32 s10, $0x1;
	s10 =	sld [smem:$0x3FB7];
	_ =	sdelay $0x3  }
0x34: {  	[smem:$0x3FB7] =	sst s10  }
0x35: {  	s10 =	sld [smem:$0x3FB6];
	_ =	sdelay $0x3  }
0x36: {  	p1 =	seq.s32 s10, $0x1;
	s10 =	sld [smem:$0x3FB7];
	_ =	sdelay $0x3  }
0x37: {  	[smem:$0x3FB7] =	sst s10  }
0x38: {  	s10 =	sld [smem:$0x3FB8]  }
0x39: {  	_ = 	snop;
	(pc) =	sbr.ind lr, $3  }
0x3a: {  	_ = 	snop  }
0x3b: {  	_ = 	snop  }
0x3c: {  	p2 =	seq.s32 s10, $0x1;
	s10 =	sld [smem:$0x3FB7]  }
0x3d: {  	_ =	shalt  }
0x3e: {  	_ =	shalt  }
0x3f: {  	_ =	shalt  }
0x40: {  	_ =	shalt  }
0x41: {  	_ =	shalt  }
0x42: {  	_ =	shalt  }
0x43: {  	_ =	shalt  }
0x44: {  	_ =	shalt  }
0x45: {  	_ =	shalt  }
0x46: {  	_ =	shalt  }
0x47: {  	_ =	shalt  }
0x48: {  	_ =	shalt  }
0x49: {  	_ =	shalt  }
0x4a: {  	_ =	shalt  }
0x4b: {  	_ =	shalt  }
0x4c: {  	_ =	shalt  }
0x4d: {  	_ =	shalt  }
0x4e: {  	_ =	shalt  }
0x4f: {  	_ =	shalt  }
0x50: {  	_ =	shalt  }
0x51: {  	_ =	shalt  }
0x52: {  	_ =	shalt  }
0x53: {  	_ =	shalt  }
0x54: {  	_ =	shalt  }
0x55: {  	_ =	shalt  }
0x56: {  	_ =	shalt  }
0x57: {  	_ =	shalt  }
0x58: {  	_ =	shalt  }
0x59: {  	_ =	shalt  }
0x5a: {  	_ =	shalt  }
0x5b: {  	_ =	shalt  }
0x5c: {  	_ =	shalt  }
0x5d: {  	_ =	shalt  }
0x5e: {  	_ =	shalt  }
0x5f: {  	_ =	shalt  }
0x60: {  	_ =	shalt  }
0x61: {  	_ =	shalt  }
0x62: {  	_ =	shalt  }
0x63: {  	_ =	shalt  }
0x64: {  	_ =	shalt  }
0x65: {  	_ =	shalt  }
0x66: {  	_ =	shalt  }
0x67: {  	_ =	shalt  }
0x68: {  	_ =	shalt  }
0x69: {  	_ =	shalt  }
0x6a: {  	_ =	shalt  }
0x6b: {  	_ =	shalt  }
0x6c: {  	_ =	shalt  }
0x6d: {  	_ =	shalt  }
0x6e: {  	_ =	shalt  }
0x6f: {  	_ =	shalt  }
0x70: {  	_ =	shalt  }
0x71: {  	_ =	shalt  }
0x72: {  	_ =	shalt  }
0x73: {  	_ =	shalt  }
0x74: {  	_ =	shalt  }
0x75: {  	_ =	shalt  }
0x76: {  	_ =	shalt  }
0x77: {  	_ =	shalt  }
0x78: {  	_ =	shalt  }
0x79: {  	_ =	shalt  }
0x7a: {  	_ =	shalt  }
0x7b: {  	_ =	shalt  }
0x7c: {  	_ =	shalt  }
0x7d: {  	_ =	shalt  }
0x7e: {  	_ =	shalt  }
0x7f: {  	_ =	shalt  }
0x80: {  	_ =	shalt  }
0x81: {  	_ =	shalt  }
0x82: {  	_ =	shalt  }
0x83: {  	_ =	shalt  }
0x84: {  	_ =	shalt  }
0x85: {  	_ =	shalt  }
0x86: {  	_ =	shalt  }
0x87: {  	_ =	shalt  }
.Lfunc_end0:
.L_simem_size_0:
called_computation_lowered:
.L_overlay_start_0:
0x88: {  	s2 =	sld [smem:$0x3FD9]  }
0x89: {  	s3 =	sld [smem:$0x3FFE];
	_ =	sdelay $0x1  }
0x8a: {  	s1 =	srdreg.scid  }
0x8b: {  	s0 =	sand.u32 $0x1, s1  }
0x8c: {  	s14 =	sshll.u32 s0, $0xA;
	s2 =	sadd.s32 s3, s2  }
0x8d: {  	s2 =	sadd.s32 s2, s14  }
0x8e: {  	[smem:$0x3FC3] =	sst s2  }
0x8f: {  	_ = 	snop  }
0x90: {  	s2 =	sld [smem:$0x3FD0];
	_ =	sdelay $0x2  }
0x91: {  	s15 =	simm.s32 $0xA;
	s4 =	simm.s32 $0x10  }
0x92: {  	[smem:s4], [sflag:s15] =	dma.local [hbm:s2], $0x1  }
0x93: {  	_ =	swait.eq [sflag:s15], $0x1  }
0x94: {  	[sflag:s15] =	ssyncset.done $0x0  }
0x95: {  	[sflag:s15] =	ssyncadd.s32 $0xFFFFFFFF  }
0x96: {  	s16 =	sld [smem:$0x10];
	(tm) =	ssettm $0x1  }
0x97: {  	s17 =	sld [smem:$0x3FFB];
	_ =	sdelay $0x3  }
0x98: {  	_ =	strace s17  }
0x99: {  	s3 =	sld [smem:$0x3FFC];
	_ =	sdelay $0x3  }
0x9a: {  	_ =	strace s3  }
0x9b: {  	s3 =	sld [smem:$0x3FFD];
	_ =	sdelay $0x3  }
0x9c: {  	_ =	strace s3  }
0x9d: {  	_ =	strace $0x8FFFFFFF  }
0x9e: {  	s18 =	sld [smem:$0x3FDB];
	_ =	sdelay $0x1  }
0x9f: {  	s19 =	simm.s32 $_scs_section_size  }
0xa0: {  	s5 =	simm.s32 $_size__tile_overlayer_lowered;
	s6 =	simm.s32 $_tile_overlayer_lowered  }
0xa1: {  	s22 =	simm.s32 $0x1BFF;
	s21 =	sshll.u32 s6, $0x1;
	s3 =	sadd.s32 s19, s18  }
0xa2: {  	s7 =	simm.s32 $0x0;
	s20 =	sshll.u32 s5, $0x1;
	s5 =	sadd.s32 s21, s3  }
0xa3: {  	[timem:s7], [sflag:s22] =	dma.local [hbm:s5], s20  }
0xa4: {  	_ =	swait.ge [sflag:s22], s20  }
0xa5: {  	s4 =	ssub.s32 $0x0, s20;
	[sflag:s22] =	ssyncset.done $0x0  }
0xa6: {  	[sflag:s22] =	ssyncadd.s32 s4;
	_ =	sdelay $0x1  }
0xa7: {  	s23 =	simm.s32 $0x1B8B  }
0xa8: {  	_ =	swait.ge [sflag:s23], $0x1  }
0xa9: {  	[sflag:s23] =	ssyncset.done $0x0  }
0xaa: {  	s25 =	simm.s32 $0x1B8E;
	s24 =	sld [smem:$0x3FFE];
	[sflag:s23] =	ssyncadd.s32 $0xFFFFFFFF  }
0xab: {  	s26 =	simm.s32 $execute0_lowered;
	[smem:$0x3FD2] =	sst s25  }
0xac: {  	s5 =	sshll.u32 s26, $0x1;
	_ =	strace $0x80000046;
	[dreg:$0x1] =	wrdreg $0xFFFFFFFF  }
0xad: {  	s28 =	simm.s32 $_size_execute0_lowered;
	s3 =	sadd.s32 s3, s5;
	[dreg:$0x0] =	wrdreg $0x0  }
0xae: {  	s5 =	sshll.u32 s28, $0x1;
	[dreg:$0x2] =	wrdreg s3  }
0xaf: {  	[dreg:$0x3] =	wrdreg s5  }
0xb0: {  	[dreg:$0x4] =	wrdreg $0xC0  }
0xb1: {  	_ =	task [dreg:s7], $0x5FFFF  }
0xb2: {  	[dreg:$0x1] =	wrdreg $0xFFFFFFFF  }
0xb3: {  	[dreg:$0x0] =	wrdreg $0x60  }
0xb4: {  	[dreg:$0x2] =	wrdreg s24  }
0xb5: {  	[dreg:$0x3] =	wrdreg s16  }
0xb6: {  	[dreg:$0x4] =	wrdreg $0x9  }
0xb7: {  	_ =	task.clear_ibuf [dreg:s7], $0x5FFFF;
	_ =	strace $0x90000046  }
0xb8: {  	s29 =	simm.s32 $0x9;
	_ =	strace $0x80000048  }
0xb9: {  	_ =	swait.ge [sflag:s29], $0x1  }
0xba: {  	[sflag:s29] =	ssyncadd.s32 $0xFFFFFFFF  }
0xbb: {  	_ =	strace $0x90000048  }
0xbc: {  	_ =	sfence  }
0xbd: {  	s30 =	sld [smem:$0x0];
	_ =	sdelay $0x2  }
0xbe: {  	s31 =	sshll.u32 s1, $0xD;
	s1 =	sshrl.u32 s1, $0x2  }
0xbf: {  	s3 =	sand.u32 $0x4000, s31;
	s1 =	sadd.s32 s1, s30  }
0xc0: {  	s0 =	sor.u32 s3, s0;
	s1 =	sshll.u32 s1, $0x11  }
0xc1: {  	s0 =	sor.u32 s1, s0  }
0xc2: {  	s0 =	sadd.s32 $0x8F2B, s0  }
0xc3: {  	[sflag:s0] =	ssyncadd.remote.s32 $0x1  }
0xc4: {  	_ =	sfence.sel $0xFFFF  }
0xc5: {  	[dreg:$0x0] =	wrdreg $0xFFFFFFFF;
	(pc) =	sbr.abs _section_cstart, $3  }
0xc6: {  	[dreg:$0x1] =	wrdreg $0xFFFFFFFF  }
0xc7: {  	_ =	task.clear_ibuf [dreg:s7], $0x2FFFF;
	_ =	strace $0x9FFFFFFF  }
0xc8: {  	(tm) =	ssettm $0x7FFFFFFF  }
0xc9: {  	_ =	shalt  }
tec
execute0_lowered:
.L_overlay_start_1:
0x0: {  	(tag) =	ssettag $0x1  }
0x1: {  	s0 =	rddreg [dreg:$0x0]  }
0x2: {  	s1 =	rddreg [dreg:$0x1];
	s2 =	simm.s32 $0x0  }
0x3: {  	s3 =	srdreg.scid;
	s5 =	stileid.u32;
	s30 =	simm.s32 $0x80  }
0x4: {  	s31 =	simm.s32 $0x4A00;
	s17 =	simm.s32 $0x9200;
	s12 =	simm.s32 $0x9A00  }
0x5: {  	s18 =	simm.s32 $0xA200;
	s13 =	simm.s32 $0xAA00;
	s14 =	simm.s32 $0xBA00  }
0x6: {  	s15 =	simm.s32 $0x2;
	s16 =	simm.s32 $0x0;
	[smem:$0x7FF] =	sst s2  }
0x7: {  	s3 =	sand.u32 $0x1, s3;
	s4 =	sadd.s32 $0x8E00, s0;
	s5 =	sshll.u32 s5, $0x4  }
0x8: {  	s7 =	sadd.s32 $0x8C00, s0;
	s6 =	sshll.u32 s3, $0x3;
	s8 =	ssub.s32 $0x2, s3  }
0x9: {  	_ =	strace $0x80000047;
	s5 =	sor.u32 s6, s5;
	s19 =	sshrl.u32 s8, $0x1  }
0xa: {  	s3 =	sadd.s32 $0x9000, s0;
	s9 =	sor.u32 $0x100, s5;
	s6 =	ssub.s32 s8, s19  }
0xb: {  	s20 =	sadd.s32 s4, s5;
	s22 =	sadd.s32 s7, s5;
	s10 =	smul.u32 $0x300, s5  }
0xc: {  	s8 =	sadd.s32 $0x9100, s0;
	s24 =	sor.u32 $0x4, s5;
	[dreg:$0x3] =	wrdreg s20  }
0xd: {  	s5 =	sor.u32 $0x104, s5;
	s21 =	sadd.s32 s4, s9;
	[dreg:$0x5] =	wrdreg s22  }
0xe: {  	s19 =	simm.s32 $0xB200;
	s23 =	sadd.s32 s7, s9;
	[dreg:$0x4] =	wrdreg s21  }
0xf: {  	s9 =	sadd.s32 $0x9200, s0;
	s11 =	sadd.s32 s4, s24;
	[dreg:$0x6] =	wrdreg s23  }
0x10: {  	s25 =	smul.u32 $0x300, s24;
	s4 =	sadd.s32 s4, s5;
	[dreg:$0x8] =	wrdreg s11  }
0x11: {  	s0 =	sadd.s32 s7, s24;
	s26 =	sadd.s32 s7, s5;
	[dreg:$0x9] =	wrdreg s4  }
0x12: {  	s29 =	smax.u32 s6, $0x1;
	s20 =	simm.s32 $0x1;
	[dreg:$0xa] =	wrdreg s0  }
0x13: {  	s5 =	simm.s32 $0x6A00;
	s6 =	simm.s32 $0x7200;
	[dreg:$0xb] =	wrdreg s26  }
0x14: {  	s7 =	simm.s32 $0x7A00;
	s10 =	sadd.s32 s1, s10;
	[dreg:$0xd] =	wrdreg s29  }
0x15: {  	v2 =	vlaneseq.u32;
	s21 =	simm.s32 $0x200;
	s0 =	simm.s32 $0x5200;
	s4 =	simm.s32 $0x6200  }
0x16: {  	vm0 =	vmmov $0xffff;
	v1 =	vshrl.u32 v2, $0x3;
	s11 =	simm.s32 $0x8A00;
	[dreg:$0x7] =	wrdreg s10;
	s28 =	sadd.s32 s1, s25  }
0x17: {  	v0 =	vand.u32 $0x7, v2;
	v2 =	vor.u32 $0x8, v2;
	v1 =	vmul.u32 $0x8, v1;
	s1 =	simm.s32 $0x5A00;
	s10 =	simm.s32 $0x8200;
	[dreg:$0xc] =	wrdreg s28  }
.LBB2_1:
0x18: {  	s22 =	rddreg [dreg:$0x3]  }
0x19: {  	[tilespmem:s2], [sflag:$0x1] =	stream.linear.gather [hbm4b:s22+s2], $0x20, $0x38;
	[tilespmem:$0xC200] =	vst v63  }
0x1a: {  	s23 =	rddreg [dreg:$0x4]  }
0x1b: {  	[tilespmem:s30], [sflag:$0x1] =	stream.linear.gather [hbm4b:s23+s2], $0x20, $0x38;
	[tilespmem:$0xC200] =	vst v63  }
0x1c: {  	s24 =	rddreg [dreg:$0x5];
	s23 =	simm.s32 $0x100  }
0x1d: {  	[tilespmem:s23], [sflag:$0x1] =	stream.linear.gather [hbm4b:s24+s2], $0x20, $0x38;
	[tilespmem:$0xC200] =	vst v63  }
0x1e: {  	s25 =	rddreg [dreg:$0x6];
	s26 =	simm.s32 $0x180  }
0x1f: {  	[tilespmem:s26], [sflag:$0x1] =	stream.linear.gather [hbm4b:s25+s2], $0x20, $0x38;
	[tilespmem:$0xC200] =	vst v63  }
0x20: {  	_ =	swait.ge [sflag:s20], $0x20  }
0x21: {  	[sflag:s20] =	ssyncset.done $0x0  }
0x22: {  	[sflag:s20] =	ssyncadd.s32 $0xFFFFFFE0  }
0x23: {  	_ =	swait.ge [sflag:s20], $0x20  }
0x24: {  	[sflag:s20] =	ssyncset.done $0x0  }
0x25: {  	[sflag:s20] =	ssyncadd.s32 $0xFFFFFFE0  }
0x26: {  	_ =	swait.ge [sflag:s20], $0x20  }
0x27: {  	[sflag:s20] =	ssyncset.done $0x0  }
0x28: {  	[sflag:s20] =	ssyncadd.s32 $0xFFFFFFE0  }
0x29: {  	_ =	swait.ge [sflag:s20], $0x20  }
0x2a: {  	[sflag:s20] =	ssyncset.done $0x0  }
0x2b: {  	[sflag:s20] =	ssyncadd.s32 $0xFFFFFFE0  }
0x2c: {  	v3 =	vld [tilespmem:$0x0];
	_ =	sdelay $0x4  }
0x2d: {  	v4 =	vshrl.u32 v3, $0x3  }
0x2e: {  	v4 =	vmul.u32 $0x30, v4  }
0x2f: {  	v3 =	vand.u32 $0x7, v3  }
0x30: {  	v3 =	vor.u32 v3, v4  }
0x31: {  	v4 =	vperm.xlane v3, v0;
	_ =	sdelay $0x1  }
0x32: {  	v4 =	vadd.s32 v1, v4;
	_ =	sdelay $0x3  }
0x33: {  	v3 =	vperm.xlane v3, v2  }
0x34: {  	[tilespmem:s21], [sflag:$0x1] =	stream.indirect_vreg.gather [hbm4b:s3+s2], $0x80, v4, vm0, $0xb8;
	[tilespmem:$0xC200] =	vst v63  }
0x35: {  	s28 =	simm.s32 $0xA00;
	v3 =	vadd.s32 v1, v3  }
0x36: {  	[tilespmem:s28], [sflag:$0x1] =	stream.indirect_vreg.gather [hbm4b:s8+s2], $0x80, v4, vm0, $0xb8;
	[tilespmem:$0xC200] =	vst v63  }
0x37: {  	s29 =	simm.s32 $0x1200  }
0x38: {  	[tilespmem:s29], [sflag:$0x1] =	stream.indirect_vreg.gather [hbm4b:s9+s2], $0x80, v4, vm0, $0xb8;
	[tilespmem:$0xC200] =	vst v63  }
0x39: {  	s23 =	simm.s32 $0x1A00  }
0x3a: {  	[tilespmem:s23], [sflag:$0x1] =	stream.indirect_vreg.gather [hbm4b:s3+s2], $0x80, v3, vm0, $0xb8;
	[tilespmem:$0xC200] =	vst v63  }
0x3b: {  	s24 =	simm.s32 $0x2200  }
0x3c: {  	[tilespmem:s24], [sflag:$0x1] =	stream.indirect_vreg.gather [hbm4b:s8+s2], $0x80, v3, vm0, $0xb8;
	[tilespmem:$0xC200] =	vst v63  }
0x3d: {  	s25 =	simm.s32 $0x2A00  }
0x3e: {  	[tilespmem:s25], [sflag:$0x1] =	stream.indirect_vreg.gather [hbm4b:s9+s2], $0x80, v3, vm0, $0xb8;
	[tilespmem:$0xC200] =	vst v63  }
0x3f: {  	v3 =	vld [tilespmem:$0x10];
	_ =	sdelay $0x4  }
0x40: {  	v61 =	vshrl.u32 v3, $0x3  }
0x41: {  	v4 =	vmul.u32 $0x30, v61  }
0x42: {  	v3 =	vand.u32 $0x7, v3  }
0x43: {  	v3 =	vor.u32 v3, v4  }
0x44: {  	v4 =	vperm.xlane v3, v0;
	_ =	sdelay $0x1  }
0x45: {  	v4 =	vadd.s32 v1, v4;
	_ =	sdelay $0x3  }
0x46: {  	s26 =	simm.s32 $0x3200;
	v3 =	vperm.xlane v3, v2  }
0x47: {  	[tilespmem:s26], [sflag:$0x1] =	stream.indirect_vreg.gather [hbm4b:s3+s2], $0x80, v4, vm0, $0xb8;
	[tilespmem:$0xC200] =	vst v63  }
0x48: {  	s28 =	simm.s32 $0x3A00;
	v3 =	vadd.s32 v1, v3  }
0x49: {  	[tilespmem:s28], [sflag:$0x1] =	stream.indirect_vreg.gather [hbm4b:s8+s2], $0x80, v4, vm0, $0xb8;
	[tilespmem:$0xC200] =	vst v63  }
0x4a: {  	s29 =	simm.s32 $0x4200  }
0x4b: {  	[tilespmem:s29], [sflag:$0x1] =	stream.indirect_vreg.gather [hbm4b:s9+s2], $0x80, v4, vm0, $0xb8;
	[tilespmem:$0xC200] =	vst v63  }
0x4c: {  	_ = 	snop  }
0x4d: {  	[tilespmem:s31], [sflag:$0x1] =	stream.indirect_vreg.gather [hbm4b:s3+s2], $0x80, v3, vm0, $0xb8;
	[tilespmem:$0xC200] =	vst v63  }
0x4e: {  	_ = 	snop  }
0x4f: {  	[tilespmem:s0], [sflag:$0x1] =	stream.indirect_vreg.gather [hbm4b:s8+s2], $0x80, v3, vm0, $0xb8;
	[tilespmem:$0xC200] =	vst v63  }
0x50: {  	_ = 	snop  }
0x51: {  	[tilespmem:s1], [sflag:$0x1] =	stream.indirect_vreg.gather [hbm4b:s9+s2], $0x80, v3, vm0, $0xb8;
	[tilespmem:$0xC200] =	vst v63  }
0x52: {  	v3 =	vld [tilespmem:$0x80];
	_ =	sdelay $0x4  }
0x53: {  	v62 =	vshrl.u32 v3, $0x3  }
0x54: {  	v4 =	vmul.u32 $0x30, v62  }
0x55: {  	v3 =	vand.u32 $0x7, v3  }
0x56: {  	v3 =	vor.u32 v3, v4  }
0x57: {  	v4 =	vperm.xlane v3, v0;
	_ =	sdelay $0x1  }
0x58: {  	v4 =	vadd.s32 v1, v4;
	_ =	sdelay $0x3  }
0x59: {  	v3 =	vperm.xlane v3, v2  }
0x5a: {  	[tilespmem:s4], [sflag:$0x1] =	stream.indirect_vreg.gather [hbm4b:s3+s2], $0x80, v4, vm0, $0xb8;
	[tilespmem:$0xC200] =	vst v63  }
0x5b: {  	v3 =	vadd.s32 v1, v3  }
0x5c: {  	[tilespmem:s5], [sflag:$0x1] =	stream.indirect_vreg.gather [hbm4b:s8+s2], $0x80, v4, vm0, $0xb8;
	[tilespmem:$0xC200] =	vst v63  }
0x5d: {  	_ = 	snop  }
0x5e: {  	[tilespmem:s6], [sflag:$0x1] =	stream.indirect_vreg.gather [hbm4b:s9+s2], $0x80, v4, vm0, $0xb8;
	[tilespmem:$0xC200] =	vst v63  }
0x5f: {  	_ = 	snop  }
0x60: {  	[tilespmem:s7], [sflag:$0x1] =	stream.indirect_vreg.gather [hbm4b:s3+s2], $0x80, v3, vm0, $0xb8;
	[tilespmem:$0xC200] =	vst v63  }
0x61: {  	_ = 	snop  }
0x62: {  	[tilespmem:s10], [sflag:$0x1] =	stream.indirect_vreg.gather [hbm4b:s8+s2], $0x80, v3, vm0, $0xb8;
	[tilespmem:$0xC200] =	vst v63  }
0x63: {  	_ = 	snop  }
0x64: {  	[tilespmem:s11], [sflag:$0x1] =	stream.indirect_vreg.gather [hbm4b:s9+s2], $0x80, v3, vm0, $0xb8;
	[tilespmem:$0xC200] =	vst v63  }
0x65: {  	v3 =	vld [tilespmem:$0x90];
	_ =	sdelay $0x4  }
0x66: {  	v63 =	vshrl.u32 v3, $0x3  }
0x67: {  	v4 =	vmul.u32 $0x30, v63  }
0x68: {  	v3 =	vand.u32 $0x7, v3  }
0x69: {  	v3 =	vor.u32 v3, v4  }
0x6a: {  	v4 =	vperm.xlane v3, v0;
	_ =	sdelay $0x1  }
0x6b: {  	v4 =	vadd.s32 v1, v4;
	_ =	sdelay $0x3  }
0x6c: {  	v3 =	vperm.xlane v3, v2  }
0x6d: {  	[tilespmem:s17], [sflag:$0x1] =	stream.indirect_vreg.gather [hbm4b:s3+s2], $0x80, v4, vm0, $0xb8;
	[tilespmem:$0xC200] =	vst v63  }
0x6e: {  	v3 =	vadd.s32 v1, v3  }
0x6f: {  	[tilespmem:s12], [sflag:$0x1] =	stream.indirect_vreg.gather [hbm4b:s8+s2], $0x80, v4, vm0, $0xb8;
	[tilespmem:$0xC200] =	vst v63  }
0x70: {  	_ = 	snop  }
0x71: {  	[tilespmem:s18], [sflag:$0x1] =	stream.indirect_vreg.gather [hbm4b:s9+s2], $0x80, v4, vm0, $0xb8;
	[tilespmem:$0xC200] =	vst v63  }
0x72: {  	_ = 	snop  }
0x73: {  	[tilespmem:s13], [sflag:$0x1] =	stream.indirect_vreg.gather [hbm4b:s3+s2], $0x80, v3, vm0, $0xb8;
	[tilespmem:$0xC200] =	vst v63  }
0x74: {  	_ = 	snop  }
0x75: {  	[tilespmem:s19], [sflag:$0x1] =	stream.indirect_vreg.gather [hbm4b:s8+s2], $0x80, v3, vm0, $0xb8;
	[tilespmem:$0xC200] =	vst v63  }
0x76: {  	_ = 	snop  }
0x77: {  	[tilespmem:s14], [sflag:$0x1] =	stream.indirect_vreg.gather [hbm4b:s9+s2], $0x80, v3, vm0, $0xb8;
	[tilespmem:$0xC200] =	vst v63  }
0x78: {  	_ =	swait.ge [sflag:s20], $0x6000  }
0x79: {  	[sflag:s20] =	ssyncset.done $0x0  }
0x7a: {  	[sflag:s20] =	ssyncadd.s32 $0xFFFFA000  }
0x7b: {  	_ =	swait.ge [sflag:s20], $0x6000  }
0x7c: {  	[sflag:s20] =	ssyncset.done $0x0  }
0x7d: {  	s22 =	simm.s32 $0x0;
	[sflag:s20] =	ssyncadd.s32 $0xFFFFA000  }
.LBB2_2:
0x7e: {  	s23 =	sshrl.u32 s22, $0x3  }
0x7f: {  	s24 =	sshll.u32 s22, $0x7;
	s23 =	smul.u32 $0x1800, s23  }
0x80: {  	s25 =	simm.s32 $0x0;
	s24 =	sand.u32 $0x380, s24  }
0x81: {  	s26 =	sand.u32 $0x10, s22;
	s23 =	sor.u32 s24, s23;
	s24 =	sand.u32 $0x1C00, s25  }
0x82: {  	v3 =	vld [tilespmem:s26+$0x100];
	s25 =	sand.u32 $0x70, s25;
	s24 =	sadd.s32 s23, s24  }
0x83: {  	v4 =	vld [tilespmem:s26+$0x180];
	s24 =	sor.u32 s25, s24  }
0x84: {  	v5 =	vmov s22;
	v6 =	vld [tilespmem:s24+$0x6200]  }
0x85: {  	v5 =	vand.u32 $0xF, v5;
	v7 =	vld [tilespmem:s24+$0x200]  }
0x86: {  	v5 =	vbroadcast v5, $0x0;
	_ =	sdelay $0x1  }
0x87: {  	v3 =	vperm.xlane v3, v5;
	v4 =	vperm.xlane v4, v5;
	_ =	sdelay $0x1  }
0x88: {  	s25 =	simm.s32 $0x80;
	v5 =	vmul.f32 v7, v3;
	v6 =	vmul.f32 v6, v4  }
0x89: {  	s26 =	simm.s32 $0x10;
	s29 =	sand.u32 $0x1C00, s25  }
0x8a: {  	s28 =	sand.u32 $0x70, s26;
	s26 =	simm.s32 $0x20;
	s29 =	sadd.s32 s23, s29;
	v5 =	vadd.f32 v6, v5  }
.LBB2_3:
0x8b: {  	p0 =	sne.s32 s26, $0x2F0;
	s28 =	sor.u32 s28, s29  }
0x8c: {  	v6 =	vld [tilespmem:s28+$0x6200];
	[tilespmem:s24+$0x200] =	vst v5;
	s24 =	smov.u32 s28  }
0x8d: {  	v5 =	vld [tilespmem:s24+$0x200];
	_ =	sdelay $0x2  }
.Ltmp0:
0x8e: {  	(pc) =	sbr.rel @p0 .LBB2_3-.Ltmp0, $4  }
0x8f: {  	_ = 	snop  }
0x90: {  	s25 =	sadd.s32 $0x80, s25;
	v6 =	vmul.f32 v6, v4;
	v5 =	vmul.f32 v5, v3  }
0x91: {  	s29 =	sand.u32 $0x1C00, s25  }
0x92: {  	s28 =	sand.u32 $0x70, s26;
	s26 =	sadd.s32 $0x10, s26;
	s29 =	sadd.s32 s23, s29;
	v5 =	vadd.f32 v6, v5  }
0x93: {  	s23 =	sor.u32 s28, s29  }
0x94: {  	v6 =	vld [tilespmem:s23+$0x6200];
	[tilespmem:s24+$0x200] =	vst v5  }
0x95: {  	v5 =	vld [tilespmem:s23+$0x200];
	_ =	sdelay $0x2  }
0x96: {  	s22 =	sadd.s32 $0x1, s22  }
0x97: {  	p0 =	sne.s32 s22, $0x20  }
.Ltmp1:
0x98: {  	v4 =	vmul.f32 v6, v4;
	v3 =	vmul.f32 v5, v3;
	(pc) =	sbr.rel @p0 .LBB2_2-.Ltmp1, $3  }
0x99: {  	_ = 	snop  }
0x9a: {  	v3 =	vadd.f32 v4, v3;
	_ =	sdelay $0x1  }
0x9b: {  	[tilespmem:s23+$0x200] =	vst v3  }
0x9c: {  	s22 =	simm.s32 $0x0;
	s23 =	rddreg [dreg:$0x7]  }
0x9d: {  	[hbm4b:s23+s22] =	stream.linear.scatter [tilespmem:s21], [sflag:$0x2], $0x6000, $0x38;
	[tilespmem:$0xC200] =	vst v63  }
0x9e: {  	_ =	swait.ge [sflag:s15], $0x6000  }
0x9f: {  	[sflag:s15] =	ssyncset.done $0x0  }
0xa0: {  	s29 =	rddreg [dreg:$0x8];
	[sflag:s15] =	ssyncadd.s32 $0xFFFFA000  }
0xa1: {  	[tilespmem:s22], [sflag:$0x1] =	stream.linear.gather [hbm4b:s29+s22], $0x20, $0x38;
	[tilespmem:$0xC200] =	vst v63  }
0xa2: {  	s24 =	rddreg [dreg:$0x9]  }
0xa3: {  	[tilespmem:s30], [sflag:$0x1] =	stream.linear.gather [hbm4b:s24+s22], $0x20, $0x38;
	[tilespmem:$0xC200] =	vst v63  }
0xa4: {  	s25 =	rddreg [dreg:$0xa];
	s24 =	simm.s32 $0x100  }
0xa5: {  	[tilespmem:s24], [sflag:$0x1] =	stream.linear.gather [hbm4b:s25+s22], $0x20, $0x38;
	[tilespmem:$0xC200] =	vst v63  }
0xa6: {  	s28 =	simm.s32 $0x180;
	s26 =	rddreg [dreg:$0xb]  }
0xa7: {  	[tilespmem:s28], [sflag:$0x1] =	stream.linear.gather [hbm4b:s26+s22], $0x20, $0x38;
	[tilespmem:$0xC200] =	vst v63  }
0xa8: {  	_ =	swait.ge [sflag:s20], $0x20  }
0xa9: {  	[sflag:s20] =	ssyncset.done $0x0  }
0xaa: {  	[sflag:s20] =	ssyncadd.s32 $0xFFFFFFE0  }
0xab: {  	_ =	swait.ge [sflag:s20], $0x20  }
0xac: {  	[sflag:s20] =	ssyncset.done $0x0  }
0xad: {  	[sflag:s20] =	ssyncadd.s32 $0xFFFFFFE0  }
0xae: {  	_ =	swait.ge [sflag:s20], $0x20  }
0xaf: {  	[sflag:s20] =	ssyncset.done $0x0  }
0xb0: {  	[sflag:s20] =	ssyncadd.s32 $0xFFFFFFE0  }
0xb1: {  	_ =	swait.ge [sflag:s20], $0x20  }
0xb2: {  	[sflag:s20] =	ssyncset.done $0x0  }
0xb3: {  	[sflag:s20] =	ssyncadd.s32 $0xFFFFFFE0  }
0xb4: {  	v3 =	vld [tilespmem:$0x0];
	_ =	sdelay $0x4  }
0xb5: {  	v4 =	vshrl.u32 v3, $0x3  }
0xb6: {  	v4 =	vmul.u32 $0x30, v4  }
0xb7: {  	v3 =	vand.u32 $0x7, v3  }
0xb8: {  	v3 =	vor.u32 v3, v4  }
0xb9: {  	v4 =	vperm.xlane v3, v0;
	_ =	sdelay $0x1  }
0xba: {  	v4 =	vadd.s32 v1, v4;
	_ =	sdelay $0x3  }
0xbb: {  	v3 =	vperm.xlane v3, v2  }
0xbc: {  	[tilespmem:s21], [sflag:$0x1] =	stream.indirect_vreg.gather [hbm4b:s3+s22], $0x80, v4, vm0, $0xb8;
	[tilespmem:$0xC200] =	vst v63  }
0xbd: {  	s29 =	simm.s32 $0xA00;
	v3 =	vadd.s32 v1, v3  }
0xbe: {  	[tilespmem:s29], [sflag:$0x1] =	stream.indirect_vreg.gather [hbm4b:s8+s22], $0x80, v4, vm0, $0xb8;
	[tilespmem:$0xC200] =	vst v63  }
0xbf: {  	s30 =	simm.s32 $0x1200  }
0xc0: {  	[tilespmem:s30], [sflag:$0x1] =	stream.indirect_vreg.gather [hbm4b:s9+s22], $0x80, v4, vm0, $0xb8;
	[tilespmem:$0xC200] =	vst v63  }
0xc1: {  	s24 =	simm.s32 $0x1A00  }
0xc2: {  	[tilespmem:s24], [sflag:$0x1] =	stream.indirect_vreg.gather [hbm4b:s3+s22], $0x80, v3, vm0, $0xb8;
	[tilespmem:$0xC200] =	vst v63  }
0xc3: {  	s25 =	simm.s32 $0x2200  }
0xc4: {  	[tilespmem:s25], [sflag:$0x1] =	stream.indirect_vreg.gather [hbm4b:s8+s22], $0x80, v3, vm0, $0xb8;
	[tilespmem:$0xC200] =	vst v63  }
0xc5: {  	s26 =	simm.s32 $0x2A00  }
0xc6: {  	[tilespmem:s26], [sflag:$0x1] =	stream.indirect_vreg.gather [hbm4b:s9+s22], $0x80, v3, vm0, $0xb8;
	[tilespmem:$0xC200] =	vst v63  }
0xc7: {  	v3 =	vld [tilespmem:$0x10];
	_ =	sdelay $0x4  }
0xc8: {  	v61 =	vshrl.u32 v3, $0x3  }
0xc9: {  	v4 =	vmul.u32 $0x30, v61  }
0xca: {  	v3 =	vand.u32 $0x7, v3  }
0xcb: {  	v3 =	vor.u32 v3, v4  }
0xcc: {  	v4 =	vperm.xlane v3, v0;
	_ =	sdelay $0x1  }
0xcd: {  	v4 =	vadd.s32 v1, v4;
	_ =	sdelay $0x3  }
0xce: {  	s28 =	simm.s32 $0x3200;
	v3 =	vperm.xlane v3, v2  }
0xcf: {  	[tilespmem:s28], [sflag:$0x1] =	stream.indirect_vreg.gather [hbm4b:s3+s22], $0x80, v4, vm0, $0xb8;
	[tilespmem:$0xC200] =	vst v63  }
0xd0: {  	s29 =	simm.s32 $0x3A00;
	v3 =	vadd.s32 v1, v3  }
0xd1: {  	[tilespmem:s29], [sflag:$0x1] =	stream.indirect_vreg.gather [hbm4b:s8+s22], $0x80, v4, vm0, $0xb8;
	[tilespmem:$0xC200] =	vst v63  }
0xd2: {  	s30 =	simm.s32 $0x4200  }
0xd3: {  	[tilespmem:s30], [sflag:$0x1] =	stream.indirect_vreg.gather [hbm4b:s9+s22], $0x80, v4, vm0, $0xb8;
	[tilespmem:$0xC200] =	vst v63  }
0xd4: {  	_ = 	snop  }
0xd5: {  	[tilespmem:s31], [sflag:$0x1] =	stream.indirect_vreg.gather [hbm4b:s3+s22], $0x80, v3, vm0, $0xb8;
	[tilespmem:$0xC200] =	vst v63  }
0xd6: {  	_ = 	snop  }
0xd7: {  	[tilespmem:s0], [sflag:$0x1] =	stream.indirect_vreg.gather [hbm4b:s8+s22], $0x80, v3, vm0, $0xb8;
	[tilespmem:$0xC200] =	vst v63  }
0xd8: {  	_ = 	snop  }
0xd9: {  	[tilespmem:s1], [sflag:$0x1] =	stream.indirect_vreg.gather [hbm4b:s9+s22], $0x80, v3, vm0, $0xb8;
	[tilespmem:$0xC200] =	vst v63  }
0xda: {  	v3 =	vld [tilespmem:$0x80];
	_ =	sdelay $0x4  }
0xdb: {  	v62 =	vshrl.u32 v3, $0x3  }
0xdc: {  	v4 =	vmul.u32 $0x30, v62  }
0xdd: {  	v3 =	vand.u32 $0x7, v3  }
0xde: {  	v3 =	vor.u32 v3, v4  }
0xdf: {  	v4 =	vperm.xlane v3, v0;
	_ =	sdelay $0x1  }
0xe0: {  	v4 =	vadd.s32 v1, v4;
	_ =	sdelay $0x3  }
0xe1: {  	v3 =	vperm.xlane v3, v2  }
0xe2: {  	[tilespmem:s4], [sflag:$0x1] =	stream.indirect_vreg.gather [hbm4b:s3+s22], $0x80, v4, vm0, $0xb8;
	[tilespmem:$0xC200] =	vst v63  }
0xe3: {  	v3 =	vadd.s32 v1, v3  }
0xe4: {  	[tilespmem:s5], [sflag:$0x1] =	stream.indirect_vreg.gather [hbm4b:s8+s22], $0x80, v4, vm0, $0xb8;
	[tilespmem:$0xC200] =	vst v63  }
0xe5: {  	_ = 	snop  }
0xe6: {  	[tilespmem:s6], [sflag:$0x1] =	stream.indirect_vreg.gather [hbm4b:s9+s22], $0x80, v4, vm0, $0xb8;
	[tilespmem:$0xC200] =	vst v63  }
0xe7: {  	_ = 	snop  }
0xe8: {  	[tilespmem:s7], [sflag:$0x1] =	stream.indirect_vreg.gather [hbm4b:s3+s22], $0x80, v3, vm0, $0xb8;
	[tilespmem:$0xC200] =	vst v63  }
0xe9: {  	_ = 	snop  }
0xea: {  	[tilespmem:s10], [sflag:$0x1] =	stream.indirect_vreg.gather [hbm4b:s8+s22], $0x80, v3, vm0, $0xb8;
	[tilespmem:$0xC200] =	vst v63  }
0xeb: {  	_ = 	snop  }
0xec: {  	[tilespmem:s11], [sflag:$0x1] =	stream.indirect_vreg.gather [hbm4b:s9+s22], $0x80, v3, vm0, $0xb8;
	[tilespmem:$0xC200] =	vst v63  }
0xed: {  	v3 =	vld [tilespmem:$0x90];
	_ =	sdelay $0x4  }
0xee: {  	v63 =	vshrl.u32 v3, $0x3  }
0xef: {  	v4 =	vmul.u32 $0x30, v63  }
0xf0: {  	v3 =	vand.u32 $0x7, v3  }
0xf1: {  	v3 =	vor.u32 v3, v4  }
0xf2: {  	v4 =	vperm.xlane v3, v0;
	_ =	sdelay $0x1  }
0xf3: {  	v4 =	vadd.s32 v1, v4;
	_ =	sdelay $0x3  }
0xf4: {  	v3 =	vperm.xlane v3, v2  }
0xf5: {  	[tilespmem:s17], [sflag:$0x1] =	stream.indirect_vreg.gather [hbm4b:s3+s22], $0x80, v4, vm0, $0xb8;
	[tilespmem:$0xC200] =	vst v63  }
0xf6: {  	v3 =	vadd.s32 v1, v3  }
0xf7: {  	[tilespmem:s12], [sflag:$0x1] =	stream.indirect_vreg.gather [hbm4b:s8+s22], $0x80, v4, vm0, $0xb8;
	[tilespmem:$0xC200] =	vst v63  }
0xf8: {  	_ = 	snop  }
0xf9: {  	[tilespmem:s18], [sflag:$0x1] =	stream.indirect_vreg.gather [hbm4b:s9+s22], $0x80, v4, vm0, $0xb8;
	[tilespmem:$0xC200] =	vst v63  }
0xfa: {  	_ = 	snop  }
0xfb: {  	[tilespmem:s13], [sflag:$0x1] =	stream.indirect_vreg.gather [hbm4b:s3+s22], $0x80, v3, vm0, $0xb8;
	[tilespmem:$0xC200] =	vst v63  }
0xfc: {  	_ = 	snop  }
0xfd: {  	[tilespmem:s19], [sflag:$0x1] =	stream.indirect_vreg.gather [hbm4b:s8+s22], $0x80, v3, vm0, $0xb8;
	[tilespmem:$0xC200] =	vst v63  }
0xfe: {  	_ = 	snop  }
0xff: {  	[tilespmem:s14], [sflag:$0x1] =	stream.indirect_vreg.gather [hbm4b:s9+s22], $0x80, v3, vm0, $0xb8;
	[tilespmem:$0xC200] =	vst v63  }
0x100: {  	_ =	swait.ge [sflag:s20], $0x6000  }
0x101: {  	[sflag:s20] =	ssyncset.done $0x0  }
0x102: {  	[sflag:s20] =	ssyncadd.s32 $0xFFFFA000  }
0x103: {  	_ =	swait.ge [sflag:s20], $0x6000  }
0x104: {  	[sflag:s20] =	ssyncset.done $0x0  }
0x105: {  	s23 =	simm.s32 $0x0;
	[sflag:s20] =	ssyncadd.s32 $0xFFFFA000  }
.LBB2_6:
0x106: {  	s24 =	sshrl.u32 s23, $0x3  }
0x107: {  	s25 =	sshll.u32 s23, $0x7;
	s24 =	smul.u32 $0x1800, s24  }
0x108: {  	s25 =	sand.u32 $0x380, s25  }
0x109: {  	s26 =	sand.u32 $0x10, s23;
	s24 =	sor.u32 s25, s24;
	s25 =	sand.u32 $0x1C00, s22  }
0x10a: {  	s28 =	sand.u32 $0x70, s22;
	v3 =	vld [tilespmem:s26+$0x100];
	s25 =	sadd.s32 s24, s25  }
0x10b: {  	v4 =	vld [tilespmem:s26+$0x180];
	s25 =	sor.u32 s28, s25  }
0x10c: {  	v5 =	vmov s23;
	v6 =	vld [tilespmem:s25+$0x6200]  }
0x10d: {  	v5 =	vand.u32 $0xF, v5;
	v7 =	vld [tilespmem:s25+$0x200]  }
0x10e: {  	v5 =	vbroadcast v5, $0x0;
	_ =	sdelay $0x1  }
0x10f: {  	v3 =	vperm.xlane v3, v5;
	v4 =	vperm.xlane v4, v5;
	_ =	sdelay $0x1  }
0x110: {  	s26 =	simm.s32 $0x80;
	v5 =	vmul.f32 v7, v3;
	v6 =	vmul.f32 v6, v4  }
0x111: {  	s30 =	sand.u32 $0x1C00, s26;
	s28 =	simm.s32 $0x10  }
0x112: {  	s30 =	sadd.s32 s24, s30;
	s29 =	sand.u32 $0x70, s28;
	s28 =	simm.s32 $0x20;
	v5 =	vadd.f32 v6, v5  }
.LBB2_7:
0x113: {  	p0 =	sne.s32 s28, $0x2F0;
	s29 =	sor.u32 s29, s30  }
0x114: {  	v6 =	vld [tilespmem:s29+$0x6200];
	[tilespmem:s25+$0x200] =	vst v5;
	s25 =	smov.u32 s29  }
0x115: {  	v5 =	vld [tilespmem:s25+$0x200];
	_ =	sdelay $0x2  }
.Ltmp2:
0x116: {  	(pc) =	sbr.rel @p0 .LBB2_7-.Ltmp2, $4  }
0x117: {  	_ = 	snop  }
0x118: {  	s26 =	sadd.s32 $0x80, s26;
	v6 =	vmul.f32 v6, v4;
	v5 =	vmul.f32 v5, v3  }
0x119: {  	s30 =	sand.u32 $0x1C00, s26  }
0x11a: {  	s29 =	sand.u32 $0x70, s28;
	s28 =	sadd.s32 $0x10, s28;
	s30 =	sadd.s32 s24, s30;
	v5 =	vadd.f32 v6, v5  }
0x11b: {  	s24 =	sor.u32 s29, s30  }
0x11c: {  	v6 =	vld [tilespmem:s24+$0x6200];
	[tilespmem:s25+$0x200] =	vst v5  }
0x11d: {  	v5 =	vld [tilespmem:s24+$0x200];
	_ =	sdelay $0x2  }
0x11e: {  	s23 =	sadd.s32 $0x1, s23  }
0x11f: {  	p0 =	sne.s32 s23, $0x20  }
.Ltmp3:
0x120: {  	v4 =	vmul.f32 v6, v4;
	v3 =	vmul.f32 v5, v3;
	(pc) =	sbr.rel @p0 .LBB2_6-.Ltmp3, $3  }
0x121: {  	_ = 	snop  }
0x122: {  	v3 =	vadd.f32 v4, v3;
	_ =	sdelay $0x1  }
0x123: {  	[tilespmem:s24+$0x200] =	vst v3  }
0x124: {  	s22 =	rddreg [dreg:$0xc]  }
0x125: {  	[hbm4b:s22+s2] =	stream.linear.scatter [tilespmem:s21], [sflag:$0x2], $0x6000, $0x38;
	[tilespmem:$0xC200] =	vst v63  }
0x126: {  	_ =	swait.ge [sflag:s15], $0x6000  }
0x127: {  	s16 =	sadd.s32 $0x1, s16;
	s29 =	rddreg [dreg:$0xd]  }
0x128: {  	p0 =	sne.s32 s16, s29  }
.Ltmp4:
0x129: {  	_ = 	snop;
	(pc) =	sbr.rel @p0 .LBB2_1-.Ltmp4, $3  }
0x12a: {  	_ =	sdelay $0x1  }
0x12b: {  	[sflag:s15] =	ssyncset.done $0x0  }
0x12c: {  	s30 =	simm.s32 $0x80;
	[sflag:s15] =	ssyncadd.s32 $0xFFFFA000  }
0x12d: {  	_ =	sfence.sel $0x180000  }
0x12e: {  	[bflag:$0x0] =	sbarrier.arrive $0xFFFF  }
0x12f: {  	_ =	strace $0x90000047  }
0x130: {  	s0 =	stileid.u32;
	[bflag:$0x2] =	sbarrier.arrive $0xFFFF  }
0x131: {  	p0 =	sne.s32 s0, $0x0;
	s0 =	rddreg [dreg:$0x2]  }
0x132: {  	s0 =	sadd.s32 @!p0 $0x100000, s0  }
0x133: {  	[sflag:s0] =	ssyncadd.tile.s32 @!p0 $0x1;
	_ =	shalt  }
.Lfunc_end2:
_tile_overlayer_lowered:
.L_overlay_start_2:
0x134: {  	(tag) =	ssettag $0x2  }
0x135: {  	s0 =	rddreg [dreg:$0x0];
	s2 =	stileid.u32  }
0x136: {  	s1 =	rddreg [dreg:$0x1];
	p0 =	sne.s32 s2, $0x0  }
0x137: {  	s3 =	rddreg [dreg:$0x2];
	[bflag:$0x3] =	sbarrier.arrive $0xFFFF;
	s2 =	simm.s32 @!p0 $0x1C02  }
0x138: {  	[timem:s3], [sflag:s2] =	dma.local @!p0 [hbm:s0], s1  }
0x139: {  	s0 =	simm.s32 @!p0 $0x2  }
0x13a: {  	_ =	swait.ge @!p0 [sflag:s0], s1  }
0x13b: {  	s1 =	ssub.s32 @!p0 $0x0, s1;
	[sflag:s0] =	ssyncset.done @!p0 $0x0  }
0x13c: {  	[sflag:s0] =	ssyncadd.s32 @!p0 s1  }
0x13d: {  	[bflag:$0x3] =	sbarrier.arrive $0xFFFF  }
0x13e: {  	_ =	shalt  }

</sc_bundles>
